<compile_context>
chip_gen: v7x
topology: tpu7x:2x2x1
jax: 0.10.2.dev20260603
libtpu: 0.0.44.dev20260713+nightly
codegen_flags: <defaults>
</compile_context>

<pallas_src>
import functools

import jax
import jax.numpy as jnp
from jax import lax
from jax.experimental import pallas as pl
from jax.experimental.pallas import tpu as pltpu
from jax.experimental.pallas import tpu_sc as plsc

_B = 4096
_L = 200
_D = 64
_NC = 2
_NS = 16
_NW = _NC * _NS
_RPW = _B // _NW
_U = 8
_INV_L = 1.0 / _L


def _pool_body(x_hbm, emb_hbm, z_hbm, idx_v, rows0, rows1, zbuf, sem0, sem1):
    wid = lax.axis_index("s") * _NC + lax.axis_index("c")
    base = wid * _RPW

    pltpu.sync_copy(x_hbm.at[pl.ds(base * _L, _RPW * _L)], idx_v)

    def gather(i, rows_ref, sem):
        off = pl.multiple_of(i * _L, 8)
        pltpu.make_async_copy(
            emb_hbm.at[idx_v.at[pl.ds(off, 128)]],
            rows_ref.at[pl.ds(0, 128)], sem).start()
        pltpu.make_async_copy(
            emb_hbm.at[idx_v.at[pl.ds(off + 128, _L - 128)]],
            rows_ref.at[pl.ds(128, _L - 128)], sem).start()

    def wait_rows(rows_ref, sem):
        pltpu.make_async_copy(emb_hbm.at[pl.ds(0, _L)], rows_ref, sem).wait()

    def reduce_store(rows_ref, i):
        def rbody(jj, accs):
            a0, a1, a2, a3 = accs
            j0 = jj * _U
            for u in range(_U):
                j = j0 + u
                a0 = a0 + rows_ref[j, pl.ds(0, 16)]
                a1 = a1 + rows_ref[j, pl.ds(16, 16)]
                a2 = a2 + rows_ref[j, pl.ds(32, 16)]
                a3 = a3 + rows_ref[j, pl.ds(48, 16)]
            return a0, a1, a2, a3
        zero = jnp.zeros((16,), jnp.float32)
        a0, a1, a2, a3 = lax.fori_loop(0, _L // _U, rbody,
                                       (zero, zero, zero, zero))
        zbuf[i, pl.ds(0, 16)] = a0 * _INV_L
        zbuf[i, pl.ds(16, 16)] = a1 * _INV_L
        zbuf[i, pl.ds(32, 16)] = a2 * _INV_L
        zbuf[i, pl.ds(48, 16)] = a3 * _INV_L

    gather(0, rows0, sem0)

    def body(it, carry):
        i0 = it * 2
        gather(i0 + 1, rows1, sem1)
        wait_rows(rows0, sem0)
        reduce_store(rows0, i0)

        @pl.when(i0 + 2 < _RPW)
        def _():
            gather(i0 + 2, rows0, sem0)

        wait_rows(rows1, sem1)
        reduce_store(rows1, i0 + 1)
        return carry

    lax.fori_loop(0, _RPW // 2, body, 0)

    pltpu.sync_copy(zbuf, z_hbm.at[pl.ds(base, _RPW)])


_pool = functools.partial(
    pl.kernel,
    out_type=jax.ShapeDtypeStruct((_B, _D), jnp.float32),
    mesh=plsc.VectorSubcoreMesh(core_axis_name="c", subcore_axis_name="s"),
    scratch_types=[
        pltpu.VMEM((_RPW * _L,), jnp.int32),
        pltpu.VMEM((_L, _D), jnp.float32),
        pltpu.VMEM((_L, _D), jnp.float32),
        pltpu.VMEM((_RPW, _D), jnp.float32),
        pltpu.SemaphoreType.DMA,
        pltpu.SemaphoreType.DMA,
    ],
    compiler_params=pltpu.CompilerParams(use_tc_tiling_on_sc=False),
)(_pool_body)


def _mlp_body(z_ref, w1_ref, b1_ref, w2_ref, b2_ref, wo_ref, bo_ref, out_ref):
    h = jnp.dot(z_ref[...], w1_ref[...], preferred_element_type=jnp.float32)
    h = jnp.maximum(h + b1_ref[...], 0.0)
    h = jnp.dot(h, w2_ref[...], preferred_element_type=jnp.float32)
    h = jnp.maximum(h + b2_ref[...], 0.0)
    out_ref[...] = (jnp.dot(h, wo_ref[...], preferred_element_type=jnp.float32)
                    + bo_ref[...])


def kernel(x, emb, W1, b1, W2, b2, Wout, bout):
    z = _pool(x.reshape(-1), emb)
    nclass = Wout.shape[1]
    wo_p = jnp.pad(Wout, ((0, 0), (0, 128 - nclass)))
    bo_p = jnp.pad(bout, (0, 128 - nclass)).reshape(1, 128)
    out_p = pl.pallas_call(
        _mlp_body,
        out_shape=jax.ShapeDtypeStruct((_B, 128), jnp.float32),
    )(z, W1, b1.reshape(1, -1), W2, b2.reshape(1, -1), wo_p, bo_p)
    return out_p[:, :nclass]

# --- scband reference (transcript-rebuilt; emitter-appended) ---
"""Pipeline reference for scband-dan-54185307406838 (READ-ONLY COPY).

The authoritative reference and input builder live on the scoring server;
editing this copy changes nothing except your own understanding.
"""

import jax, jax.numpy as jnp
import numpy as np

VOCAB = 1000000
D_EMBED = 64
HIDDEN = (128, 64)
NCLASS = 2
B = 4096
L = 200


def setup_inputs(seed: int = 0) -> dict:
    key = jax.random.key(seed)
    k_x, k_emb, k_w1, k_b1, k_w2, k_b2, k_wo, k_bo = jax.random.split(key, 8)
    x = jax.random.randint(k_x, (B, L), 0, VOCAB, dtype=jnp.int64 if jax.config.jax_enable_x64 else jnp.int32).astype(jnp.int32)
    emb = jax.random.normal(k_emb, (VOCAB, D_EMBED), dtype=jnp.float32) * 0.02
    # padding_idx=0: row 0 is zeros in nn.Embedding
    emb = emb.at[0].set(0.0)
    W1 = jax.random.normal(k_w1, (D_EMBED, HIDDEN[0]), dtype=jnp.float32) * (1.0 / np.sqrt(D_EMBED))
    b1 = jax.random.normal(k_b1, (HIDDEN[0],), dtype=jnp.float32) * 0.01
    W2 = jax.random.normal(k_w2, (HIDDEN[0], HIDDEN[1]), dtype=jnp.float32) * (1.0 / np.sqrt(HIDDEN[0]))
    b2 = jax.random.normal(k_b2, (HIDDEN[1],), dtype=jnp.float32) * 0.01
    Wout = jax.random.normal(k_wo, (HIDDEN[1], NCLASS), dtype=jnp.float32) * (1.0 / np.sqrt(HIDDEN[1]))
    bout = jax.random.normal(k_bo, (NCLASS,), dtype=jnp.float32) * 0.01
    return {"x": x, "emb": emb, "W1": W1, "b1": b1, "W2": W2, "b2": b2, "Wout": Wout, "bout": bout}


def reference(x, emb, W1, b1, W2, b2, Wout, bout):
    # Eval-mode DAN forward (no word dropout at inference)
    E = jnp.take(emb, x, axis=0)               # [B, L, d_embed] gather
    denom = jnp.full((x.shape[0], 1), x.shape[1], dtype=E.dtype)
    z = E.sum(axis=1) / denom                  # deep averaging
    h = jax.nn.relu(z @ W1 + b1)
    h = jax.nn.relu(h @ W2 + b2)
    return h @ Wout + bout

if __name__ == "__main__":
    import jax
    _d = setup_inputs()
    print(jax.jit(kernel)(*tuple(_d.values())))

</pallas_src>

<mosaic_0001>
#map = affine_map<(d0, d1) -> (0)>
#map1 = affine_map<(d0, d1) -> (0, 0)>
module attributes {stable_mosaic.version = 14 : i64} {
  func.func @_pool_body(%arg0: i32, %arg1: i32, %arg2: memref<819200xi32, #tpu.memory_space<hbm>>, %arg3: memref<1000000x64xf32, #tpu.memory_space<hbm>>, %arg4: memref<4096x64xf32, #tpu.memory_space<hbm>>, %arg5: memref<25600xi32, #tpu.memory_space<vmem>>, %arg6: memref<200x64xf32, #tpu.memory_space<vmem>>, %arg7: memref<200x64xf32, #tpu.memory_space<vmem>>, %arg8: memref<128x64xf32, #tpu.memory_space<vmem>>, %arg9: memref<!tpu.dma_semaphore, #tpu.memory_space<semaphore_mem>>, %arg10: memref<!tpu.dma_semaphore, #tpu.memory_space<semaphore_mem>>) attributes {dimension_semantics = [#tpu.dimension_semantics<core_parallel>, #tpu.dimension_semantics<subcore_parallel>], iteration_bounds = array<i64: 2, 16>, scalar_prefetch = 0 : i64, scratch_operands = 6 : i64, tpu.core_type = #tpu.core_type<sc_vector_subcore>, window_params = [{transform_indices = #map}, {transform_indices = #map1}, {transform_indices = #map1}]} {
    %mul3A = arith.constant 2 : i32
    %mul3A_0 = arith.muli %arg1, %mul3A : i32
    %add3A = arith.addi %mul3A_0, %arg0 : i32
    %mul3A_1 = arith.constant 128 : i32
    %mul3A_2 = arith.muli %add3A, %mul3A_1 : i32
    %mul3A_3 = arith.constant 200 : i32
    %mul3A_4 = arith.muli %mul3A_2, %mul3A_3 : i32
    "tpu.region"() ({
      %run_scoped3A = tpu.sem_alloc : memref<!tpu.dma_semaphore, #tpu.memory_space<semaphore_mem>>
      %dma_start3A_26 = tpu.memref_slice %arg2[%mul3A_4] : memref<819200xi32, #tpu.memory_space<hbm>> -> memref<25600xi32, #tpu.memory_space<hbm>>
      %dma_start3A_27 = tpu.memref_slice %arg2[%mul3A_4] : memref<819200xi32, #tpu.memory_space<hbm>> -> memref<25600xi32, #tpu.memory_space<hbm>>
      tpu.enqueue_dma source(%dma_start3A_27 : memref<25600xi32, #tpu.memory_space<hbm>>) target(%arg5 : memref<25600xi32, #tpu.memory_space<vmem>>) target_semaphore(%run_scoped3A : memref<!tpu.dma_semaphore, #tpu.memory_space<semaphore_mem>>)
      %dma_wait3A = tpu.memref_slice %arg2[%mul3A_4] : memref<819200xi32, #tpu.memory_space<hbm>> -> memref<25600xi32, #tpu.memory_space<hbm>>
      %dma_wait3A_28 = tpu.memref_slice %arg2[%mul3A_4] : memref<819200xi32, #tpu.memory_space<hbm>> -> memref<25600xi32, #tpu.memory_space<hbm>>
      tpu.wait_dma2 semaphore(%run_scoped3A : memref<!tpu.dma_semaphore, #tpu.memory_space<semaphore_mem>>) src(%dma_wait3A_28 : memref<25600xi32, #tpu.memory_space<hbm>>) dst(%arg5 : memref<25600xi32, #tpu.memory_space<vmem>>)
      tpu.yield
    }) : () -> ()
    %multiple_of3A = arith.constant 0 : i32
    %multiple_of3A_5 = tpu.assume_multiple %multiple_of3A, 8 : i32
    %dma_start3A = arith.constant 0 : i32
    %dma_start3A_6 = arith.constant 0 : i32
    %dma_start3A_7 = tpu.memref_slice %arg6[%dma_start3A, %dma_start3A_6] : memref<200x64xf32, #tpu.memory_space<vmem>> -> memref<128x64xf32, #tpu.memory_space<vmem>>
    %dma_start3A_8 = tpu.memref_slice %arg5[%multiple_of3A_5] : memref<25600xi32, #tpu.memory_space<vmem>> -> memref<128xi32, #tpu.memory_space<vmem>>
    %dma_start3A_9 = arith.constant 0 : i32
    %dma_start3A_10 = arith.constant 0 : i32
    %dma_start3A_11 = tpu.memref_slice %arg3[%dma_start3A_9, %dma_start3A_10] : memref<1000000x64xf32, #tpu.memory_space<hbm>> -> memref<1000000x64xf32, #tpu.memory_space<hbm>>
    tpu.enqueue_indirect_dma source(%dma_start3A_11 : memref<1000000x64xf32, #tpu.memory_space<hbm>>) target(%dma_start3A_7 : memref<128x64xf32, #tpu.memory_space<vmem>>) offsets(%dma_start3A_8 : memref<128xi32, #tpu.memory_space<vmem>>) semaphore(%arg9 : memref<!tpu.dma_semaphore, #tpu.memory_space<semaphore_mem>>)
    %add3A_12 = arith.constant 128 : i32
    %add3A_13 = arith.addi %multiple_of3A_5, %add3A_12 : i32
    %dma_start3A_14 = arith.constant 128 : i32
    %dma_start3A_15 = arith.constant 0 : i32
    %dma_start3A_16 = tpu.memref_slice %arg6[%dma_start3A_14, %dma_start3A_15] : memref<200x64xf32, #tpu.memory_space<vmem>> -> memref<72x64xf32, #tpu.memory_space<vmem>>
    %dma_start3A_17 = tpu.memref_slice %arg5[%add3A_13] : memref<25600xi32, #tpu.memory_space<vmem>> -> memref<72xi32, #tpu.memory_space<vmem>>
    %dma_start3A_18 = arith.constant 0 : i32
    %dma_start3A_19 = arith.constant 0 : i32
    %dma_start3A_20 = tpu.memref_slice %arg3[%dma_start3A_18, %dma_start3A_19] : memref<1000000x64xf32, #tpu.memory_space<hbm>> -> memref<1000000x64xf32, #tpu.memory_space<hbm>>
    tpu.enqueue_indirect_dma source(%dma_start3A_20 : memref<1000000x64xf32, #tpu.memory_space<hbm>>) target(%dma_start3A_16 : memref<72x64xf32, #tpu.memory_space<vmem>>) offsets(%dma_start3A_17 : memref<72xi32, #tpu.memory_space<vmem>>) semaphore(%arg9 : memref<!tpu.dma_semaphore, #tpu.memory_space<semaphore_mem>>)
    %scan3A = arith.constant 0 : i32
    %scan3A_21 = arith.constant 0 : i32
    %scan3A_22 = arith.constant 64 : i32
    %scan3A_23 = arith.addi %scan3A_21, %scan3A_22 : i32
    %scan3A_24 = arith.constant 1 : i32
    scf.for %scan3A_26 = %scan3A_21 to %scan3A_23 step %scan3A_24  : i32 {
      %mul3A_27 = arith.constant 2 : i32
      %mul3A_28 = arith.muli %scan3A_26, %mul3A_27 : i32
      %add3A_29 = arith.constant 1 : i32
      %add3A_30 = arith.addi %mul3A_28, %add3A_29 : i32
      %mul3A_31 = arith.constant 200 : i32
      %mul3A_32 = arith.muli %add3A_30, %mul3A_31 : i32
      %multiple_of3A_33 = tpu.assume_multiple %mul3A_32, 8 : i32
      %dma_start3A_34 = arith.constant 0 : i32
      %dma_start3A_35 = arith.constant 0 : i32
      %dma_start3A_36 = tpu.memref_slice %arg7[%dma_start3A_34, %dma_start3A_35] : memref<200x64xf32, #tpu.memory_space<vmem>> -> memref<128x64xf32, #tpu.memory_space<vmem>>
      %dma_start3A_37 = tpu.memref_slice %arg5[%multiple_of3A_33] : memref<25600xi32, #tpu.memory_space<vmem>> -> memref<128xi32, #tpu.memory_space<vmem>>
      %dma_start3A_38 = arith.constant 0 : i32
      %dma_start3A_39 = arith.constant 0 : i32
      %dma_start3A_40 = tpu.memref_slice %arg3[%dma_start3A_38, %dma_start3A_39] : memref<1000000x64xf32, #tpu.memory_space<hbm>> -> memref<1000000x64xf32, #tpu.memory_space<hbm>>
      tpu.enqueue_indirect_dma source(%dma_start3A_40 : memref<1000000x64xf32, #tpu.memory_space<hbm>>) target(%dma_start3A_36 : memref<128x64xf32, #tpu.memory_space<vmem>>) offsets(%dma_start3A_37 : memref<128xi32, #tpu.memory_space<vmem>>) semaphore(%arg10 : memref<!tpu.dma_semaphore, #tpu.memory_space<semaphore_mem>>)
      %add3A_41 = arith.constant 128 : i32
      %add3A_42 = arith.addi %multiple_of3A_33, %add3A_41 : i32
      %dma_start3A_43 = arith.constant 128 : i32
      %dma_start3A_44 = arith.constant 0 : i32
      %dma_start3A_45 = tpu.memref_slice %arg7[%dma_start3A_43, %dma_start3A_44] : memref<200x64xf32, #tpu.memory_space<vmem>> -> memref<72x64xf32, #tpu.memory_space<vmem>>
      %dma_start3A_46 = tpu.memref_slice %arg5[%add3A_42] : memref<25600xi32, #tpu.memory_space<vmem>> -> memref<72xi32, #tpu.memory_space<vmem>>
      %dma_start3A_47 = arith.constant 0 : i32
      %dma_start3A_48 = arith.constant 0 : i32
      %dma_start3A_49 = tpu.memref_slice %arg3[%dma_start3A_47, %dma_start3A_48] : memref<1000000x64xf32, #tpu.memory_space<hbm>> -> memref<1000000x64xf32, #tpu.memory_space<hbm>>
      tpu.enqueue_indirect_dma source(%dma_start3A_49 : memref<1000000x64xf32, #tpu.memory_space<hbm>>) target(%dma_start3A_45 : memref<72x64xf32, #tpu.memory_space<vmem>>) offsets(%dma_start3A_46 : memref<72xi32, #tpu.memory_space<vmem>>) semaphore(%arg10 : memref<!tpu.dma_semaphore, #tpu.memory_space<semaphore_mem>>)
      %dma_wait3A = arith.constant 0 : i32
      %dma_wait3A_50 = arith.constant 0 : i32
      %dma_wait3A_51 = tpu.memref_slice %arg3[%dma_wait3A, %dma_wait3A_50] : memref<1000000x64xf32, #tpu.memory_space<hbm>> -> memref<200x64xf32, #tpu.memory_space<hbm>>
      %dma_wait3A_52 = arith.constant 0 : i32
      %dma_wait3A_53 = arith.constant 0 : i32
      %dma_wait3A_54 = tpu.memref_slice %arg3[%dma_wait3A_52, %dma_wait3A_53] : memref<1000000x64xf32, #tpu.memory_space<hbm>> -> memref<200x64xf32, #tpu.memory_space<hbm>>
      tpu.wait_dma2 semaphore(%arg9 : memref<!tpu.dma_semaphore, #tpu.memory_space<semaphore_mem>>) src(%dma_wait3A_54 : memref<200x64xf32, #tpu.memory_space<hbm>>) dst(%arg6 : memref<200x64xf32, #tpu.memory_space<vmem>>)
      %broadcast_in_dim3A = arith.constant 0.000000e+00 : f32
      %broadcast_in_dim3A_55 = vector.broadcast %broadcast_in_dim3A : f32 to vector<16xf32>
      %scan3A_56 = arith.constant 0 : i32
      %scan3A_57 = arith.constant 25 : i32
      %scan3A_58 = arith.addi %scan3A_56, %scan3A_57 : i32
      %scan3A_59 = arith.constant 1 : i32
      %scan3A_60:4 = scf.for %scan3A_145 = %scan3A_56 to %scan3A_58 step %scan3A_59 iter_args(%scan3A_146 = %broadcast_in_dim3A_55, %scan3A_147 = %broadcast_in_dim3A_55, %scan3A_148 = %broadcast_in_dim3A_55, %scan3A_149 = %broadcast_in_dim3A_55) -> (vector<16xf32>, vector<16xf32>, vector<16xf32>, vector<16xf32>)  : i32 {
        %mul3A_150 = arith.constant 8 : i32
        %mul3A_151 = arith.muli %scan3A_145, %mul3A_150 : i32
        %add3A_152 = arith.constant 0 : i32
        %add3A_153 = arith.addi %mul3A_151, %add3A_152 : i32
        %get3A = arith.index_cast %add3A_153 : i32 to index
        %get3A_154 = arith.constant 0 : index
        %get3A_155 = tpu.vector_load %arg6[%get3A, %get3A_154] {strides = array<i32>} : memref<200x64xf32, #tpu.memory_space<vmem>>, vector<1x16xf32>,
        %get3A_156 = vector.shape_cast %get3A_155 : vector<1x16xf32> to vector<16xf32>
        %add3A_157 = arith.addf %scan3A_146, %get3A_156 : vector<16xf32>
        %get3A_158 = arith.index_cast %add3A_153 : i32 to index
        %get3A_159 = arith.constant 16 : index
        %get3A_160 = tpu.vector_load %arg6[%get3A_158, %get3A_159] {strides = array<i32>} : memref<200x64xf32, #tpu.memory_space<vmem>>, vector<1x16xf32>,
        %get3A_161 = vector.shape_cast %get3A_160 : vector<1x16xf32> to vector<16xf32>
        %add3A_162 = arith.addf %scan3A_147, %get3A_161 : vector<16xf32>
        %get3A_163 = arith.index_cast %add3A_153 : i32 to index
        %get3A_164 = arith.constant 32 : index
        %get3A_165 = tpu.vector_load %arg6[%get3A_163, %get3A_164] {strides = array<i32>} : memref<200x64xf32, #tpu.memory_space<vmem>>, vector<1x16xf32>,
        %get3A_166 = vector.shape_cast %get3A_165 : vector<1x16xf32> to vector<16xf32>
        %add3A_167 = arith.addf %scan3A_148, %get3A_166 : vector<16xf32>
        %get3A_168 = arith.index_cast %add3A_153 : i32 to index
        %get3A_169 = arith.constant 48 : index
        %get3A_170 = tpu.vector_load %arg6[%get3A_168, %get3A_169] {strides = array<i32>} : memref<200x64xf32, #tpu.memory_space<vmem>>, vector<1x16xf32>,
        %get3A_171 = vector.shape_cast %get3A_170 : vector<1x16xf32> to vector<16xf32>
        %add3A_172 = arith.addf %scan3A_149, %get3A_171 : vector<16xf32>
        %add3A_173 = arith.constant 1 : i32
        %add3A_174 = arith.addi %mul3A_151, %add3A_173 : i32
        %get3A_175 = arith.index_cast %add3A_174 : i32 to index
        %get3A_176 = arith.constant 0 : index
        %get3A_177 = tpu.vector_load %arg6[%get3A_175, %get3A_176] {strides = array<i32>} : memref<200x64xf32, #tpu.memory_space<vmem>>, vector<1x16xf32>,
        %get3A_178 = vector.shape_cast %get3A_177 : vector<1x16xf32> to vector<16xf32>
        %add3A_179 = arith.addf %add3A_157, %get3A_178 : vector<16xf32>
        %get3A_180 = arith.index_cast %add3A_174 : i32 to index
        %get3A_181 = arith.constant 16 : index
        %get3A_182 = tpu.vector_load %arg6[%get3A_180, %get3A_181] {strides = array<i32>} : memref<200x64xf32, #tpu.memory_space<vmem>>, vector<1x16xf32>,
        %get3A_183 = vector.shape_cast %get3A_182 : vector<1x16xf32> to vector<16xf32>
        %add3A_184 = arith.addf %add3A_162, %get3A_183 : vector<16xf32>
        %get3A_185 = arith.index_cast %add3A_174 : i32 to index
        %get3A_186 = arith.constant 32 : index
        %get3A_187 = tpu.vector_load %arg6[%get3A_185, %get3A_186] {strides = array<i32>} : memref<200x64xf32, #tpu.memory_space<vmem>>, vector<1x16xf32>,
        %get3A_188 = vector.shape_cast %get3A_187 : vector<1x16xf32> to vector<16xf32>
        %add3A_189 = arith.addf %add3A_167, %get3A_188 : vector<16xf32>
        %get3A_190 = arith.index_cast %add3A_174 : i32 to index
        %get3A_191 = arith.constant 48 : index
        %get3A_192 = tpu.vector_load %arg6[%get3A_190, %get3A_191] {strides = array<i32>} : memref<200x64xf32, #tpu.memory_space<vmem>>, vector<1x16xf32>,
        %get3A_193 = vector.shape_cast %get3A_192 : vector<1x16xf32> to vector<16xf32>
        %add3A_194 = arith.addf %add3A_172, %get3A_193 : vector<16xf32>
        %add3A_195 = arith.constant 2 : i32
        %add3A_196 = arith.addi %mul3A_151, %add3A_195 : i32
        %get3A_197 = arith.index_cast %add3A_196 : i32 to index
        %get3A_198 = arith.constant 0 : index
        %get3A_199 = tpu.vector_load %arg6[%get3A_197, %get3A_198] {strides = array<i32>} : memref<200x64xf32, #tpu.memory_space<vmem>>, vector<1x16xf32>,
        %get3A_200 = vector.shape_cast %get3A_199 : vector<1x16xf32> to vector<16xf32>
        %add3A_201 = arith.addf %add3A_179, %get3A_200 : vector<16xf32>
        %get3A_202 = arith.index_cast %add3A_196 : i32 to index
        %get3A_203 = arith.constant 16 : index
        %get3A_204 = tpu.vector_load %arg6[%get3A_202, %get3A_203] {strides = array<i32>} : memref<200x64xf32, #tpu.memory_space<vmem>>, vector<1x16xf32>,
        %get3A_205 = vector.shape_cast %get3A_204 : vector<1x16xf32> to vector<16xf32>
        %add3A_206 = arith.addf %add3A_184, %get3A_205 : vector<16xf32>
        %get3A_207 = arith.index_cast %add3A_196 : i32 to index
        %get3A_208 = arith.constant 32 : index
        %get3A_209 = tpu.vector_load %arg6[%get3A_207, %get3A_208] {strides = array<i32>} : memref<200x64xf32, #tpu.memory_space<vmem>>, vector<1x16xf32>,
        %get3A_210 = vector.shape_cast %get3A_209 : vector<1x16xf32> to vector<16xf32>
        %add3A_211 = arith.addf %add3A_189, %get3A_210 : vector<16xf32>
        %get3A_212 = arith.index_cast %add3A_196 : i32 to index
        %get3A_213 = arith.constant 48 : index
        %get3A_214 = tpu.vector_load %arg6[%get3A_212, %get3A_213] {strides = array<i32>} : memref<200x64xf32, #tpu.memory_space<vmem>>, vector<1x16xf32>,
        %get3A_215 = vector.shape_cast %get3A_214 : vector<1x16xf32> to vector<16xf32>
        %add3A_216 = arith.addf %add3A_194, %get3A_215 : vector<16xf32>
        %add3A_217 = arith.constant 3 : i32
        %add3A_218 = arith.addi %mul3A_151, %add3A_217 : i32
        %get3A_219 = arith.index_cast %add3A_218 : i32 to index
        %get3A_220 = arith.constant 0 : index
        %get3A_221 = tpu.vector_load %arg6[%get3A_219, %get3A_220] {strides = array<i32>} : memref<200x64xf32, #tpu.memory_space<vmem>>, vector<1x16xf32>,
        %get3A_222 = vector.shape_cast %get3A_221 : vector<1x16xf32> to vector<16xf32>
        %add3A_223 = arith.addf %add3A_201, %get3A_222 : vector<16xf32>
        %get3A_224 = arith.index_cast %add3A_218 : i32 to index
        %get3A_225 = arith.constant 16 : index
        %get3A_226 = tpu.vector_load %arg6[%get3A_224, %get3A_225] {strides = array<i32>} : memref<200x64xf32, #tpu.memory_space<vmem>>, vector<1x16xf32>,
        %get3A_227 = vector.shape_cast %get3A_226 : vector<1x16xf32> to vector<16xf32>
        %add3A_228 = arith.addf %add3A_206, %get3A_227 : vector<16xf32>
        %get3A_229 = arith.index_cast %add3A_218 : i32 to index
        %get3A_230 = arith.constant 32 : index
        %get3A_231 = tpu.vector_load %arg6[%get3A_229, %get3A_230] {strides = array<i32>} : memref<200x64xf32, #tpu.memory_space<vmem>>, vector<1x16xf32>,
        %get3A_232 = vector.shape_cast %get3A_231 : vector<1x16xf32> to vector<16xf32>
        %add3A_233 = arith.addf %add3A_211, %get3A_232 : vector<16xf32>
        %get3A_234 = arith.index_cast %add3A_218 : i32 to index
        %get3A_235 = arith.constant 48 : index
        %get3A_236 = tpu.vector_load %arg6[%get3A_234, %get3A_235] {strides = array<i32>} : memref<200x64xf32, #tpu.memory_space<vmem>>, vector<1x16xf32>,
        %get3A_237 = vector.shape_cast %get3A_236 : vector<1x16xf32> to vector<16xf32>
        %add3A_238 = arith.addf %add3A_216, %get3A_237 : vector<16xf32>
        %add3A_239 = arith.constant 4 : i32
        %add3A_240 = arith.addi %mul3A_151, %add3A_239 : i32
        %get3A_241 = arith.index_cast %add3A_240 : i32 to index
        %get3A_242 = arith.constant 0 : index
        %get3A_243 = tpu.vector_load %arg6[%get3A_241, %get3A_242] {strides = array<i32>} : memref<200x64xf32, #tpu.memory_space<vmem>>, vector<1x16xf32>,
        %get3A_244 = vector.shape_cast %get3A_243 : vector<1x16xf32> to vector<16xf32>
        %add3A_245 = arith.addf %add3A_223, %get3A_244 : vector<16xf32>
        %get3A_246 = arith.index_cast %add3A_240 : i32 to index
        %get3A_247 = arith.constant 16 : index
        %get3A_248 = tpu.vector_load %arg6[%get3A_246, %get3A_247] {strides = array<i32>} : memref<200x64xf32, #tpu.memory_space<vmem>>, vector<1x16xf32>,
        %get3A_249 = vector.shape_cast %get3A_248 : vector<1x16xf32> to vector<16xf32>
        %add3A_250 = arith.addf %add3A_228, %get3A_249 : vector<16xf32>
        %get3A_251 = arith.index_cast %add3A_240 : i32 to index
        %get3A_252 = arith.constant 32 : index
        %get3A_253 = tpu.vector_load %arg6[%get3A_251, %get3A_252] {strides = array<i32>} : memref<200x64xf32, #tpu.memory_space<vmem>>, vector<1x16xf32>,
        %get3A_254 = vector.shape_cast %get3A_253 : vector<1x16xf32> to vector<16xf32>
        %add3A_255 = arith.addf %add3A_233, %get3A_254 : vector<16xf32>
        %get3A_256 = arith.index_cast %add3A_240 : i32 to index
        %get3A_257 = arith.constant 48 : index
        %get3A_258 = tpu.vector_load %arg6[%get3A_256, %get3A_257] {strides = array<i32>} : memref<200x64xf32, #tpu.memory_space<vmem>>, vector<1x16xf32>,
        %get3A_259 = vector.shape_cast %get3A_258 : vector<1x16xf32> to vector<16xf32>
        %add3A_260 = arith.addf %add3A_238, %get3A_259 : vector<16xf32>
        %add3A_261 = arith.constant 5 : i32
        %add3A_262 = arith.addi %mul3A_151, %add3A_261 : i32
        %get3A_263 = arith.index_cast %add3A_262 : i32 to index
        %get3A_264 = arith.constant 0 : index
        %get3A_265 = tpu.vector_load %arg6[%get3A_263, %get3A_264] {strides = array<i32>} : memref<200x64xf32, #tpu.memory_space<vmem>>, vector<1x16xf32>,
        %get3A_266 = vector.shape_cast %get3A_265 : vector<1x16xf32> to vector<16xf32>
        %add3A_267 = arith.addf %add3A_245, %get3A_266 : vector<16xf32>
        %get3A_268 = arith.index_cast %add3A_262 : i32 to index
        %get3A_269 = arith.constant 16 : index
        %get3A_270 = tpu.vector_load %arg6[%get3A_268, %get3A_269] {strides = array<i32>} : memref<200x64xf32, #tpu.memory_space<vmem>>, vector<1x16xf32>,
        %get3A_271 = vector.shape_cast %get3A_270 : vector<1x16xf32> to vector<16xf32>
        %add3A_272 = arith.addf %add3A_250, %get3A_271 : vector<16xf32>
        %get3A_273 = arith.index_cast %add3A_262 : i32 to index
        %get3A_274 = arith.constant 32 : index
        %get3A_275 = tpu.vector_load %arg6[%get3A_273, %get3A_274] {strides = array<i32>} : memref<200x64xf32, #tpu.memory_space<vmem>>, vector<1x16xf32>,
        %get3A_276 = vector.shape_cast %get3A_275 : vector<1x16xf32> to vector<16xf32>
        %add3A_277 = arith.addf %add3A_255, %get3A_276 : vector<16xf32>
        %get3A_278 = arith.index_cast %add3A_262 : i32 to index
        %get3A_279 = arith.constant 48 : index
        %get3A_280 = tpu.vector_load %arg6[%get3A_278, %get3A_279] {strides = array<i32>} : memref<200x64xf32, #tpu.memory_space<vmem>>, vector<1x16xf32>,
        %get3A_281 = vector.shape_cast %get3A_280 : vector<1x16xf32> to vector<16xf32>
        %add3A_282 = arith.addf %add3A_260, %get3A_281 : vector<16xf32>
        %add3A_283 = arith.constant 6 : i32
        %add3A_284 = arith.addi %mul3A_151, %add3A_283 : i32
        %get3A_285 = arith.index_cast %add3A_284 : i32 to index
        %get3A_286 = arith.constant 0 : index
        %get3A_287 = tpu.vector_load %arg6[%get3A_285, %get3A_286] {strides = array<i32>} : memref<200x64xf32, #tpu.memory_space<vmem>>, vector<1x16xf32>,
        %get3A_288 = vector.shape_cast %get3A_287 : vector<1x16xf32> to vector<16xf32>
        %add3A_289 = arith.addf %add3A_267, %get3A_288 : vector<16xf32>
        %get3A_290 = arith.index_cast %add3A_284 : i32 to index
        %get3A_291 = arith.constant 16 : index
        %get3A_292 = tpu.vector_load %arg6[%get3A_290, %get3A_291] {strides = array<i32>} : memref<200x64xf32, #tpu.memory_space<vmem>>, vector<1x16xf32>,
        %get3A_293 = vector.shape_cast %get3A_292 : vector<1x16xf32> to vector<16xf32>
        %add3A_294 = arith.addf %add3A_272, %get3A_293 : vector<16xf32>
        %get3A_295 = arith.index_cast %add3A_284 : i32 to index
        %get3A_296 = arith.constant 32 : index
        %get3A_297 = tpu.vector_load %arg6[%get3A_295, %get3A_296] {strides = array<i32>} : memref<200x64xf32, #tpu.memory_space<vmem>>, vector<1x16xf32>,
        %get3A_298 = vector.shape_cast %get3A_297 : vector<1x16xf32> to vector<16xf32>
        %add3A_299 = arith.addf %add3A_277, %get3A_298 : vector<16xf32>
        %get3A_300 = arith.index_cast %add3A_284 : i32 to index
        %get3A_301 = arith.constant 48 : index
        %get3A_302 = tpu.vector_load %arg6[%get3A_300, %get3A_301] {strides = array<i32>} : memref<200x64xf32, #tpu.memory_space<vmem>>, vector<1x16xf32>,
        %get3A_303 = vector.shape_cast %get3A_302 : vector<1x16xf32> to vector<16xf32>
        %add3A_304 = arith.addf %add3A_282, %get3A_303 : vector<16xf32>
        %add3A_305 = arith.constant 7 : i32
        %add3A_306 = arith.addi %mul3A_151, %add3A_305 : i32
        %get3A_307 = arith.index_cast %add3A_306 : i32 to index
        %get3A_308 = arith.constant 0 : index
        %get3A_309 = tpu.vector_load %arg6[%get3A_307, %get3A_308] {strides = array<i32>} : memref<200x64xf32, #tpu.memory_space<vmem>>, vector<1x16xf32>,
        %get3A_310 = vector.shape_cast %get3A_309 : vector<1x16xf32> to vector<16xf32>
        %add3A_311 = arith.addf %add3A_289, %get3A_310 : vector<16xf32>
        %get3A_312 = arith.index_cast %add3A_306 : i32 to index
        %get3A_313 = arith.constant 16 : index
        %get3A_314 = tpu.vector_load %arg6[%get3A_312, %get3A_313] {strides = array<i32>} : memref<200x64xf32, #tpu.memory_space<vmem>>, vector<1x16xf32>,
        %get3A_315 = vector.shape_cast %get3A_314 : vector<1x16xf32> to vector<16xf32>
        %add3A_316 = arith.addf %add3A_294, %get3A_315 : vector<16xf32>
        %get3A_317 = arith.index_cast %add3A_306 : i32 to index
        %get3A_318 = arith.constant 32 : index
        %get3A_319 = tpu.vector_load %arg6[%get3A_317, %get3A_318] {strides = array<i32>} : memref<200x64xf32, #tpu.memory_space<vmem>>, vector<1x16xf32>,
        %get3A_320 = vector.shape_cast %get3A_319 : vector<1x16xf32> to vector<16xf32>
        %add3A_321 = arith.addf %add3A_299, %get3A_320 : vector<16xf32>
        %get3A_322 = arith.index_cast %add3A_306 : i32 to index
        %get3A_323 = arith.constant 48 : index
        %get3A_324 = tpu.vector_load %arg6[%get3A_322, %get3A_323] {strides = array<i32>} : memref<200x64xf32, #tpu.memory_space<vmem>>, vector<1x16xf32>,
        %get3A_325 = vector.shape_cast %get3A_324 : vector<1x16xf32> to vector<16xf32>
        %add3A_326 = arith.addf %add3A_304, %get3A_325 : vector<16xf32>
        scf.yield %add3A_311, %add3A_316, %add3A_321, %add3A_326 : vector<16xf32>, vector<16xf32>, vector<16xf32>, vector<16xf32>
      }
      %scan3A_61 = arith.constant 25 : i32
      %mul3A_62 = arith.constant 5.000000e-03 : f32
      %mul3A_63 = vector.broadcast %mul3A_62 : f32 to vector<16xf32>
      %mul3A_64 = arith.mulf %scan3A_60#0, %mul3A_63 : vector<16xf32>
      %swap3A = arith.index_cast %mul3A_28 : i32 to index
      %swap3A_65 = arith.constant 0 : index
      %swap3A_66 = tpu.vector_load %arg8[%swap3A, %swap3A_65] {strides = array<i32>} : memref<128x64xf32, #tpu.memory_space<vmem>>, vector<1x16xf32>,
      %swap3A_67 = vector.shape_cast %swap3A_66 : vector<1x16xf32> to vector<16xf32>
      %swap3A_68 = vector.shape_cast %mul3A_64 : vector<16xf32> to vector<1x16xf32>
      tpu.vector_store %arg8[%swap3A, %swap3A_65], %swap3A_68 {strides = array<i32>} : memref<128x64xf32, #tpu.memory_space<vmem>>, vector<1x16xf32>,
      %mul3A_69 = arith.constant 5.000000e-03 : f32
      %mul3A_70 = vector.broadcast %mul3A_69 : f32 to vector<16xf32>
      %mul3A_71 = arith.mulf %scan3A_60#1, %mul3A_70 : vector<16xf32>
      %swap3A_72 = arith.index_cast %mul3A_28 : i32 to index
      %swap3A_73 = arith.constant 16 : index
      %swap3A_74 = tpu.vector_load %arg8[%swap3A_72, %swap3A_73] {strides = array<i32>} : memref<128x64xf32, #tpu.memory_space<vmem>>, vector<1x16xf32>,
      %swap3A_75 = vector.shape_cast %swap3A_74 : vector<1x16xf32> to vector<16xf32>
      %swap3A_76 = vector.shape_cast %mul3A_71 : vector<16xf32> to vector<1x16xf32>
      tpu.vector_store %arg8[%swap3A_72, %swap3A_73], %swap3A_76 {strides = array<i32>} : memref<128x64xf32, #tpu.memory_space<vmem>>, vector<1x16xf32>,
      %mul3A_77 = arith.constant 5.000000e-03 : f32
      %mul3A_78 = vector.broadcast %mul3A_77 : f32 to vector<16xf32>
      %mul3A_79 = arith.mulf %scan3A_60#2, %mul3A_78 : vector<16xf32>
      %swap3A_80 = arith.index_cast %mul3A_28 : i32 to index
      %swap3A_81 = arith.constant 32 : index
      %swap3A_82 = tpu.vector_load %arg8[%swap3A_80, %swap3A_81] {strides = array<i32>} : memref<128x64xf32, #tpu.memory_space<vmem>>, vector<1x16xf32>,
      %swap3A_83 = vector.shape_cast %swap3A_82 : vector<1x16xf32> to vector<16xf32>
      %swap3A_84 = vector.shape_cast %mul3A_79 : vector<16xf32> to vector<1x16xf32>
      tpu.vector_store %arg8[%swap3A_80, %swap3A_81], %swap3A_84 {strides = array<i32>} : memref<128x64xf32, #tpu.memory_space<vmem>>, vector<1x16xf32>,
      %mul3A_85 = arith.constant 5.000000e-03 : f32
      %mul3A_86 = vector.broadcast %mul3A_85 : f32 to vector<16xf32>
      %mul3A_87 = arith.mulf %scan3A_60#3, %mul3A_86 : vector<16xf32>
      %swap3A_88 = arith.index_cast %mul3A_28 : i32 to index
      %swap3A_89 = arith.constant 48 : index
      %swap3A_90 = tpu.vector_load %arg8[%swap3A_88, %swap3A_89] {strides = array<i32>} : memref<128x64xf32, #tpu.memory_space<vmem>>, vector<1x16xf32>,
      %swap3A_91 = vector.shape_cast %swap3A_90 : vector<1x16xf32> to vector<16xf32>
      %swap3A_92 = vector.shape_cast %mul3A_87 : vector<16xf32> to vector<1x16xf32>
      tpu.vector_store %arg8[%swap3A_88, %swap3A_89], %swap3A_92 {strides = array<i32>} : memref<128x64xf32, #tpu.memory_space<vmem>>, vector<1x16xf32>,
      %add3A_93 = arith.constant 2 : i32
      %add3A_94 = arith.addi %mul3A_28, %add3A_93 : i32
      %lt3A = arith.constant 128 : i32
      %lt3A_95 = arith.cmpi slt, %add3A_94, %lt3A : i32
      %convert_element_type3A = arith.extui %lt3A_95 : i1 to i32
      %cond3A = arith.constant 0 : i32
      %cond3A_96 = arith.cmpi ne, %convert_element_type3A, %cond3A : i32
      scf.if %cond3A_96 {
        %add3A_145 = arith.constant 2 : i32
        %add3A_146 = arith.addi %mul3A_28, %add3A_145 : i32
        %mul3A_147 = arith.constant 200 : i32
        %mul3A_148 = arith.muli %add3A_146, %mul3A_147 : i32
        %multiple_of3A_149 = tpu.assume_multiple %mul3A_148, 8 : i32
        %dma_start3A_150 = arith.constant 0 : i32
        %dma_start3A_151 = arith.constant 0 : i32
        %dma_start3A_152 = tpu.memref_slice %arg6[%dma_start3A_150, %dma_start3A_151] : memref<200x64xf32, #tpu.memory_space<vmem>> -> memref<128x64xf32, #tpu.memory_space<vmem>>
        %dma_start3A_153 = tpu.memref_slice %arg5[%multiple_of3A_149] : memref<25600xi32, #tpu.memory_space<vmem>> -> memref<128xi32, #tpu.memory_space<vmem>>
        %dma_start3A_154 = arith.constant 0 : i32
        %dma_start3A_155 = arith.constant 0 : i32
        %dma_start3A_156 = tpu.memref_slice %arg3[%dma_start3A_154, %dma_start3A_155] : memref<1000000x64xf32, #tpu.memory_space<hbm>> -> memref<1000000x64xf32, #tpu.memory_space<hbm>>
        tpu.enqueue_indirect_dma source(%dma_start3A_156 : memref<1000000x64xf32, #tpu.memory_space<hbm>>) target(%dma_start3A_152 : memref<128x64xf32, #tpu.memory_space<vmem>>) offsets(%dma_start3A_153 : memref<128xi32, #tpu.memory_space<vmem>>) semaphore(%arg9 : memref<!tpu.dma_semaphore, #tpu.memory_space<semaphore_mem>>)
        %add3A_157 = arith.constant 128 : i32
        %add3A_158 = arith.addi %multiple_of3A_149, %add3A_157 : i32
        %dma_start3A_159 = arith.constant 128 : i32
        %dma_start3A_160 = arith.constant 0 : i32
        %dma_start3A_161 = tpu.memref_slice %arg6[%dma_start3A_159, %dma_start3A_160] : memref<200x64xf32, #tpu.memory_space<vmem>> -> memref<72x64xf32, #tpu.memory_space<vmem>>
        %dma_start3A_162 = tpu.memref_slice %arg5[%add3A_158] : memref<25600xi32, #tpu.memory_space<vmem>> -> memref<72xi32, #tpu.memory_space<vmem>>
        %dma_start3A_163 = arith.constant 0 : i32
        %dma_start3A_164 = arith.constant 0 : i32
        %dma_start3A_165 = tpu.memref_slice %arg3[%dma_start3A_163, %dma_start3A_164] : memref<1000000x64xf32, #tpu.memory_space<hbm>> -> memref<1000000x64xf32, #tpu.memory_space<hbm>>
        tpu.enqueue_indirect_dma source(%dma_start3A_165 : memref<1000000x64xf32, #tpu.memory_space<hbm>>) target(%dma_start3A_161 : memref<72x64xf32, #tpu.memory_space<vmem>>) offsets(%dma_start3A_162 : memref<72xi32, #tpu.memory_space<vmem>>) semaphore(%arg9 : memref<!tpu.dma_semaphore, #tpu.memory_space<semaphore_mem>>)
      } else {
      }
      %dma_wait3A_97 = arith.constant 0 : i32
      %dma_wait3A_98 = arith.constant 0 : i32
      %dma_wait3A_99 = tpu.memref_slice %arg3[%dma_wait3A_97, %dma_wait3A_98] : memref<1000000x64xf32, #tpu.memory_space<hbm>> -> memref<200x64xf32, #tpu.memory_space<hbm>>
      %dma_wait3A_100 = arith.constant 0 : i32
      %dma_wait3A_101 = arith.constant 0 : i32
      %dma_wait3A_102 = tpu.memref_slice %arg3[%dma_wait3A_100, %dma_wait3A_101] : memref<1000000x64xf32, #tpu.memory_space<hbm>> -> memref<200x64xf32, #tpu.memory_space<hbm>>
      tpu.wait_dma2 semaphore(%arg10 : memref<!tpu.dma_semaphore, #tpu.memory_space<semaphore_mem>>) src(%dma_wait3A_102 : memref<200x64xf32, #tpu.memory_space<hbm>>) dst(%arg7 : memref<200x64xf32, #tpu.memory_space<vmem>>)
      %add3A_103 = arith.constant 1 : i32
      %add3A_104 = arith.addi %mul3A_28, %add3A_103 : i32
      %broadcast_in_dim3A_105 = arith.constant 0.000000e+00 : f32
      %broadcast_in_dim3A_106 = vector.broadcast %broadcast_in_dim3A_105 : f32 to vector<16xf32>
      %scan3A_107 = arith.constant 0 : i32
      %scan3A_108 = arith.constant 25 : i32
      %scan3A_109 = arith.addi %scan3A_107, %scan3A_108 : i32
      %scan3A_110 = arith.constant 1 : i32
      %scan3A_111:4 = scf.for %scan3A_145 = %scan3A_107 to %scan3A_109 step %scan3A_110 iter_args(%scan3A_146 = %broadcast_in_dim3A_106, %scan3A_147 = %broadcast_in_dim3A_106, %scan3A_148 = %broadcast_in_dim3A_106, %scan3A_149 = %broadcast_in_dim3A_106) -> (vector<16xf32>, vector<16xf32>, vector<16xf32>, vector<16xf32>)  : i32 {
        %mul3A_150 = arith.constant 8 : i32
        %mul3A_151 = arith.muli %scan3A_145, %mul3A_150 : i32
        %add3A_152 = arith.constant 0 : i32
        %add3A_153 = arith.addi %mul3A_151, %add3A_152 : i32
        %get3A = arith.index_cast %add3A_153 : i32 to index
        %get3A_154 = arith.constant 0 : index
        %get3A_155 = tpu.vector_load %arg7[%get3A, %get3A_154] {strides = array<i32>} : memref<200x64xf32, #tpu.memory_space<vmem>>, vector<1x16xf32>,
        %get3A_156 = vector.shape_cast %get3A_155 : vector<1x16xf32> to vector<16xf32>
        %add3A_157 = arith.addf %scan3A_146, %get3A_156 : vector<16xf32>
        %get3A_158 = arith.index_cast %add3A_153 : i32 to index
        %get3A_159 = arith.constant 16 : index
        %get3A_160 = tpu.vector_load %arg7[%get3A_158, %get3A_159] {strides = array<i32>} : memref<200x64xf32, #tpu.memory_space<vmem>>, vector<1x16xf32>,
        %get3A_161 = vector.shape_cast %get3A_160 : vector<1x16xf32> to vector<16xf32>
        %add3A_162 = arith.addf %scan3A_147, %get3A_161 : vector<16xf32>
        %get3A_163 = arith.index_cast %add3A_153 : i32 to index
        %get3A_164 = arith.constant 32 : index
        %get3A_165 = tpu.vector_load %arg7[%get3A_163, %get3A_164] {strides = array<i32>} : memref<200x64xf32, #tpu.memory_space<vmem>>, vector<1x16xf32>,
        %get3A_166 = vector.shape_cast %get3A_165 : vector<1x16xf32> to vector<16xf32>
        %add3A_167 = arith.addf %scan3A_148, %get3A_166 : vector<16xf32>
        %get3A_168 = arith.index_cast %add3A_153 : i32 to index
        %get3A_169 = arith.constant 48 : index
        %get3A_170 = tpu.vector_load %arg7[%get3A_168, %get3A_169] {strides = array<i32>} : memref<200x64xf32, #tpu.memory_space<vmem>>, vector<1x16xf32>,
        %get3A_171 = vector.shape_cast %get3A_170 : vector<1x16xf32> to vector<16xf32>
        %add3A_172 = arith.addf %scan3A_149, %get3A_171 : vector<16xf32>
        %add3A_173 = arith.constant 1 : i32
        %add3A_174 = arith.addi %mul3A_151, %add3A_173 : i32
        %get3A_175 = arith.index_cast %add3A_174 : i32 to index
        %get3A_176 = arith.constant 0 : index
        %get3A_177 = tpu.vector_load %arg7[%get3A_175, %get3A_176] {strides = array<i32>} : memref<200x64xf32, #tpu.memory_space<vmem>>, vector<1x16xf32>,
        %get3A_178 = vector.shape_cast %get3A_177 : vector<1x16xf32> to vector<16xf32>
        %add3A_179 = arith.addf %add3A_157, %get3A_178 : vector<16xf32>
        %get3A_180 = arith.index_cast %add3A_174 : i32 to index
        %get3A_181 = arith.constant 16 : index
        %get3A_182 = tpu.vector_load %arg7[%get3A_180, %get3A_181] {strides = array<i32>} : memref<200x64xf32, #tpu.memory_space<vmem>>, vector<1x16xf32>,
        %get3A_183 = vector.shape_cast %get3A_182 : vector<1x16xf32> to vector<16xf32>
        %add3A_184 = arith.addf %add3A_162, %get3A_183 : vector<16xf32>
        %get3A_185 = arith.index_cast %add3A_174 : i32 to index
        %get3A_186 = arith.constant 32 : index
        %get3A_187 = tpu.vector_load %arg7[%get3A_185, %get3A_186] {strides = array<i32>} : memref<200x64xf32, #tpu.memory_space<vmem>>, vector<1x16xf32>,
        %get3A_188 = vector.shape_cast %get3A_187 : vector<1x16xf32> to vector<16xf32>
        %add3A_189 = arith.addf %add3A_167, %get3A_188 : vector<16xf32>
        %get3A_190 = arith.index_cast %add3A_174 : i32 to index
        %get3A_191 = arith.constant 48 : index
        %get3A_192 = tpu.vector_load %arg7[%get3A_190, %get3A_191] {strides = array<i32>} : memref<200x64xf32, #tpu.memory_space<vmem>>, vector<1x16xf32>,
        %get3A_193 = vector.shape_cast %get3A_192 : vector<1x16xf32> to vector<16xf32>
        %add3A_194 = arith.addf %add3A_172, %get3A_193 : vector<16xf32>
        %add3A_195 = arith.constant 2 : i32
        %add3A_196 = arith.addi %mul3A_151, %add3A_195 : i32
        %get3A_197 = arith.index_cast %add3A_196 : i32 to index
        %get3A_198 = arith.constant 0 : index
        %get3A_199 = tpu.vector_load %arg7[%get3A_197, %get3A_198] {strides = array<i32>} : memref<200x64xf32, #tpu.memory_space<vmem>>, vector<1x16xf32>,
        %get3A_200 = vector.shape_cast %get3A_199 : vector<1x16xf32> to vector<16xf32>
        %add3A_201 = arith.addf %add3A_179, %get3A_200 : vector<16xf32>
        %get3A_202 = arith.index_cast %add3A_196 : i32 to index
        %get3A_203 = arith.constant 16 : index
        %get3A_204 = tpu.vector_load %arg7[%get3A_202, %get3A_203] {strides = array<i32>} : memref<200x64xf32, #tpu.memory_space<vmem>>, vector<1x16xf32>,
        %get3A_205 = vector.shape_cast %get3A_204 : vector<1x16xf32> to vector<16xf32>
        %add3A_206 = arith.addf %add3A_184, %get3A_205 : vector<16xf32>
        %get3A_207 = arith.index_cast %add3A_196 : i32 to index
        %get3A_208 = arith.constant 32 : index
        %get3A_209 = tpu.vector_load %arg7[%get3A_207, %get3A_208] {strides = array<i32>} : memref<200x64xf32, #tpu.memory_space<vmem>>, vector<1x16xf32>,
        %get3A_210 = vector.shape_cast %get3A_209 : vector<1x16xf32> to vector<16xf32>
        %add3A_211 = arith.addf %add3A_189, %get3A_210 : vector<16xf32>
        %get3A_212 = arith.index_cast %add3A_196 : i32 to index
        %get3A_213 = arith.constant 48 : index
        %get3A_214 = tpu.vector_load %arg7[%get3A_212, %get3A_213] {strides = array<i32>} : memref<200x64xf32, #tpu.memory_space<vmem>>, vector<1x16xf32>,
        %get3A_215 = vector.shape_cast %get3A_214 : vector<1x16xf32> to vector<16xf32>
        %add3A_216 = arith.addf %add3A_194, %get3A_215 : vector<16xf32>
        %add3A_217 = arith.constant 3 : i32
        %add3A_218 = arith.addi %mul3A_151, %add3A_217 : i32
        %get3A_219 = arith.index_cast %add3A_218 : i32 to index
        %get3A_220 = arith.constant 0 : index
        %get3A_221 = tpu.vector_load %arg7[%get3A_219, %get3A_220] {strides = array<i32>} : memref<200x64xf32, #tpu.memory_space<vmem>>, vector<1x16xf32>,
        %get3A_222 = vector.shape_cast %get3A_221 : vector<1x16xf32> to vector<16xf32>
        %add3A_223 = arith.addf %add3A_201, %get3A_222 : vector<16xf32>
        %get3A_224 = arith.index_cast %add3A_218 : i32 to index
        %get3A_225 = arith.constant 16 : index
        %get3A_226 = tpu.vector_load %arg7[%get3A_224, %get3A_225] {strides = array<i32>} : memref<200x64xf32, #tpu.memory_space<vmem>>, vector<1x16xf32>,
        %get3A_227 = vector.shape_cast %get3A_226 : vector<1x16xf32> to vector<16xf32>
        %add3A_228 = arith.addf %add3A_206, %get3A_227 : vector<16xf32>
        %get3A_229 = arith.index_cast %add3A_218 : i32 to index
        %get3A_230 = arith.constant 32 : index
        %get3A_231 = tpu.vector_load %arg7[%get3A_229, %get3A_230] {strides = array<i32>} : memref<200x64xf32, #tpu.memory_space<vmem>>, vector<1x16xf32>,
        %get3A_232 = vector.shape_cast %get3A_231 : vector<1x16xf32> to vector<16xf32>
        %add3A_233 = arith.addf %add3A_211, %get3A_232 : vector<16xf32>
        %get3A_234 = arith.index_cast %add3A_218 : i32 to index
        %get3A_235 = arith.constant 48 : index
        %get3A_236 = tpu.vector_load %arg7[%get3A_234, %get3A_235] {strides = array<i32>} : memref<200x64xf32, #tpu.memory_space<vmem>>, vector<1x16xf32>,
        %get3A_237 = vector.shape_cast %get3A_236 : vector<1x16xf32> to vector<16xf32>
        %add3A_238 = arith.addf %add3A_216, %get3A_237 : vector<16xf32>
        %add3A_239 = arith.constant 4 : i32
        %add3A_240 = arith.addi %mul3A_151, %add3A_239 : i32
        %get3A_241 = arith.index_cast %add3A_240 : i32 to index
        %get3A_242 = arith.constant 0 : index
        %get3A_243 = tpu.vector_load %arg7[%get3A_241, %get3A_242] {strides = array<i32>} : memref<200x64xf32, #tpu.memory_space<vmem>>, vector<1x16xf32>,
        %get3A_244 = vector.shape_cast %get3A_243 : vector<1x16xf32> to vector<16xf32>
        %add3A_245 = arith.addf %add3A_223, %get3A_244 : vector<16xf32>
        %get3A_246 = arith.index_cast %add3A_240 : i32 to index
        %get3A_247 = arith.constant 16 : index
        %get3A_248 = tpu.vector_load %arg7[%get3A_246, %get3A_247] {strides = array<i32>} : memref<200x64xf32, #tpu.memory_space<vmem>>, vector<1x16xf32>,
        %get3A_249 = vector.shape_cast %get3A_248 : vector<1x16xf32> to vector<16xf32>
        %add3A_250 = arith.addf %add3A_228, %get3A_249 : vector<16xf32>
        %get3A_251 = arith.index_cast %add3A_240 : i32 to index
        %get3A_252 = arith.constant 32 : index
        %get3A_253 = tpu.vector_load %arg7[%get3A_251, %get3A_252] {strides = array<i32>} : memref<200x64xf32, #tpu.memory_space<vmem>>, vector<1x16xf32>,
        %get3A_254 = vector.shape_cast %get3A_253 : vector<1x16xf32> to vector<16xf32>
        %add3A_255 = arith.addf %add3A_233, %get3A_254 : vector<16xf32>
        %get3A_256 = arith.index_cast %add3A_240 : i32 to index
        %get3A_257 = arith.constant 48 : index
        %get3A_258 = tpu.vector_load %arg7[%get3A_256, %get3A_257] {strides = array<i32>} : memref<200x64xf32, #tpu.memory_space<vmem>>, vector<1x16xf32>,
        %get3A_259 = vector.shape_cast %get3A_258 : vector<1x16xf32> to vector<16xf32>
        %add3A_260 = arith.addf %add3A_238, %get3A_259 : vector<16xf32>
        %add3A_261 = arith.constant 5 : i32
        %add3A_262 = arith.addi %mul3A_151, %add3A_261 : i32
        %get3A_263 = arith.index_cast %add3A_262 : i32 to index
        %get3A_264 = arith.constant 0 : index
        %get3A_265 = tpu.vector_load %arg7[%get3A_263, %get3A_264] {strides = array<i32>} : memref<200x64xf32, #tpu.memory_space<vmem>>, vector<1x16xf32>,
        %get3A_266 = vector.shape_cast %get3A_265 : vector<1x16xf32> to vector<16xf32>
        %add3A_267 = arith.addf %add3A_245, %get3A_266 : vector<16xf32>
        %get3A_268 = arith.index_cast %add3A_262 : i32 to index
        %get3A_269 = arith.constant 16 : index
        %get3A_270 = tpu.vector_load %arg7[%get3A_268, %get3A_269] {strides = array<i32>} : memref<200x64xf32, #tpu.memory_space<vmem>>, vector<1x16xf32>,
        %get3A_271 = vector.shape_cast %get3A_270 : vector<1x16xf32> to vector<16xf32>
        %add3A_272 = arith.addf %add3A_250, %get3A_271 : vector<16xf32>
        %get3A_273 = arith.index_cast %add3A_262 : i32 to index
        %get3A_274 = arith.constant 32 : index
        %get3A_275 = tpu.vector_load %arg7[%get3A_273, %get3A_274] {strides = array<i32>} : memref<200x64xf32, #tpu.memory_space<vmem>>, vector<1x16xf32>,
        %get3A_276 = vector.shape_cast %get3A_275 : vector<1x16xf32> to vector<16xf32>
        %add3A_277 = arith.addf %add3A_255, %get3A_276 : vector<16xf32>
        %get3A_278 = arith.index_cast %add3A_262 : i32 to index
        %get3A_279 = arith.constant 48 : index
        %get3A_280 = tpu.vector_load %arg7[%get3A_278, %get3A_279] {strides = array<i32>} : memref<200x64xf32, #tpu.memory_space<vmem>>, vector<1x16xf32>,
        %get3A_281 = vector.shape_cast %get3A_280 : vector<1x16xf32> to vector<16xf32>
        %add3A_282 = arith.addf %add3A_260, %get3A_281 : vector<16xf32>
        %add3A_283 = arith.constant 6 : i32
        %add3A_284 = arith.addi %mul3A_151, %add3A_283 : i32
        %get3A_285 = arith.index_cast %add3A_284 : i32 to index
        %get3A_286 = arith.constant 0 : index
        %get3A_287 = tpu.vector_load %arg7[%get3A_285, %get3A_286] {strides = array<i32>} : memref<200x64xf32, #tpu.memory_space<vmem>>, vector<1x16xf32>,
        %get3A_288 = vector.shape_cast %get3A_287 : vector<1x16xf32> to vector<16xf32>
        %add3A_289 = arith.addf %add3A_267, %get3A_288 : vector<16xf32>
        %get3A_290 = arith.index_cast %add3A_284 : i32 to index
        %get3A_291 = arith.constant 16 : index
        %get3A_292 = tpu.vector_load %arg7[%get3A_290, %get3A_291] {strides = array<i32>} : memref<200x64xf32, #tpu.memory_space<vmem>>, vector<1x16xf32>,
        %get3A_293 = vector.shape_cast %get3A_292 : vector<1x16xf32> to vector<16xf32>
        %add3A_294 = arith.addf %add3A_272, %get3A_293 : vector<16xf32>
        %get3A_295 = arith.index_cast %add3A_284 : i32 to index
        %get3A_296 = arith.constant 32 : index
        %get3A_297 = tpu.vector_load %arg7[%get3A_295, %get3A_296] {strides = array<i32>} : memref<200x64xf32, #tpu.memory_space<vmem>>, vector<1x16xf32>,
        %get3A_298 = vector.shape_cast %get3A_297 : vector<1x16xf32> to vector<16xf32>
        %add3A_299 = arith.addf %add3A_277, %get3A_298 : vector<16xf32>
        %get3A_300 = arith.index_cast %add3A_284 : i32 to index
        %get3A_301 = arith.constant 48 : index
        %get3A_302 = tpu.vector_load %arg7[%get3A_300, %get3A_301] {strides = array<i32>} : memref<200x64xf32, #tpu.memory_space<vmem>>, vector<1x16xf32>,
        %get3A_303 = vector.shape_cast %get3A_302 : vector<1x16xf32> to vector<16xf32>
        %add3A_304 = arith.addf %add3A_282, %get3A_303 : vector<16xf32>
        %add3A_305 = arith.constant 7 : i32
        %add3A_306 = arith.addi %mul3A_151, %add3A_305 : i32
        %get3A_307 = arith.index_cast %add3A_306 : i32 to index
        %get3A_308 = arith.constant 0 : index
        %get3A_309 = tpu.vector_load %arg7[%get3A_307, %get3A_308] {strides = array<i32>} : memref<200x64xf32, #tpu.memory_space<vmem>>, vector<1x16xf32>,
        %get3A_310 = vector.shape_cast %get3A_309 : vector<1x16xf32> to vector<16xf32>
        %add3A_311 = arith.addf %add3A_289, %get3A_310 : vector<16xf32>
        %get3A_312 = arith.index_cast %add3A_306 : i32 to index
        %get3A_313 = arith.constant 16 : index
        %get3A_314 = tpu.vector_load %arg7[%get3A_312, %get3A_313] {strides = array<i32>} : memref<200x64xf32, #tpu.memory_space<vmem>>, vector<1x16xf32>,
        %get3A_315 = vector.shape_cast %get3A_314 : vector<1x16xf32> to vector<16xf32>
        %add3A_316 = arith.addf %add3A_294, %get3A_315 : vector<16xf32>
        %get3A_317 = arith.index_cast %add3A_306 : i32 to index
        %get3A_318 = arith.constant 32 : index
        %get3A_319 = tpu.vector_load %arg7[%get3A_317, %get3A_318] {strides = array<i32>} : memref<200x64xf32, #tpu.memory_space<vmem>>, vector<1x16xf32>,
        %get3A_320 = vector.shape_cast %get3A_319 : vector<1x16xf32> to vector<16xf32>
        %add3A_321 = arith.addf %add3A_299, %get3A_320 : vector<16xf32>
        %get3A_322 = arith.index_cast %add3A_306 : i32 to index
        %get3A_323 = arith.constant 48 : index
        %get3A_324 = tpu.vector_load %arg7[%get3A_322, %get3A_323] {strides = array<i32>} : memref<200x64xf32, #tpu.memory_space<vmem>>, vector<1x16xf32>,
        %get3A_325 = vector.shape_cast %get3A_324 : vector<1x16xf32> to vector<16xf32>
        %add3A_326 = arith.addf %add3A_304, %get3A_325 : vector<16xf32>
        scf.yield %add3A_311, %add3A_316, %add3A_321, %add3A_326 : vector<16xf32>, vector<16xf32>, vector<16xf32>, vector<16xf32>
      }
      %scan3A_112 = arith.constant 25 : i32
      %mul3A_113 = arith.constant 5.000000e-03 : f32
      %mul3A_114 = vector.broadcast %mul3A_113 : f32 to vector<16xf32>
      %mul3A_115 = arith.mulf %scan3A_111#0, %mul3A_114 : vector<16xf32>
      %swap3A_116 = arith.index_cast %add3A_104 : i32 to index
      %swap3A_117 = arith.constant 0 : index
      %swap3A_118 = tpu.vector_load %arg8[%swap3A_116, %swap3A_117] {strides = array<i32>} : memref<128x64xf32, #tpu.memory_space<vmem>>, vector<1x16xf32>,
      %swap3A_119 = vector.shape_cast %swap3A_118 : vector<1x16xf32> to vector<16xf32>
      %swap3A_120 = vector.shape_cast %mul3A_115 : vector<16xf32> to vector<1x16xf32>
      tpu.vector_store %arg8[%swap3A_116, %swap3A_117], %swap3A_120 {strides = array<i32>} : memref<128x64xf32, #tpu.memory_space<vmem>>, vector<1x16xf32>,
      %mul3A_121 = arith.constant 5.000000e-03 : f32
      %mul3A_122 = vector.broadcast %mul3A_121 : f32 to vector<16xf32>
      %mul3A_123 = arith.mulf %scan3A_111#1, %mul3A_122 : vector<16xf32>
      %swap3A_124 = arith.index_cast %add3A_104 : i32 to index
      %swap3A_125 = arith.constant 16 : index
      %swap3A_126 = tpu.vector_load %arg8[%swap3A_124, %swap3A_125] {strides = array<i32>} : memref<128x64xf32, #tpu.memory_space<vmem>>, vector<1x16xf32>,
      %swap3A_127 = vector.shape_cast %swap3A_126 : vector<1x16xf32> to vector<16xf32>
      %swap3A_128 = vector.shape_cast %mul3A_123 : vector<16xf32> to vector<1x16xf32>
      tpu.vector_store %arg8[%swap3A_124, %swap3A_125], %swap3A_128 {strides = array<i32>} : memref<128x64xf32, #tpu.memory_space<vmem>>, vector<1x16xf32>,
      %mul3A_129 = arith.constant 5.000000e-03 : f32
      %mul3A_130 = vector.broadcast %mul3A_129 : f32 to vector<16xf32>
      %mul3A_131 = arith.mulf %scan3A_111#2, %mul3A_130 : vector<16xf32>
      %swap3A_132 = arith.index_cast %add3A_104 : i32 to index
      %swap3A_133 = arith.constant 32 : index
      %swap3A_134 = tpu.vector_load %arg8[%swap3A_132, %swap3A_133] {strides = array<i32>} : memref<128x64xf32, #tpu.memory_space<vmem>>, vector<1x16xf32>,
      %swap3A_135 = vector.shape_cast %swap3A_134 : vector<1x16xf32> to vector<16xf32>
      %swap3A_136 = vector.shape_cast %mul3A_131 : vector<16xf32> to vector<1x16xf32>
      tpu.vector_store %arg8[%swap3A_132, %swap3A_133], %swap3A_136 {strides = array<i32>} : memref<128x64xf32, #tpu.memory_space<vmem>>, vector<1x16xf32>,
      %mul3A_137 = arith.constant 5.000000e-03 : f32
      %mul3A_138 = vector.broadcast %mul3A_137 : f32 to vector<16xf32>
      %mul3A_139 = arith.mulf %scan3A_111#3, %mul3A_138 : vector<16xf32>
      %swap3A_140 = arith.index_cast %add3A_104 : i32 to index
      %swap3A_141 = arith.constant 48 : index
      %swap3A_142 = tpu.vector_load %arg8[%swap3A_140, %swap3A_141] {strides = array<i32>} : memref<128x64xf32, #tpu.memory_space<vmem>>, vector<1x16xf32>,
      %swap3A_143 = vector.shape_cast %swap3A_142 : vector<1x16xf32> to vector<16xf32>
      %swap3A_144 = vector.shape_cast %mul3A_139 : vector<16xf32> to vector<1x16xf32>
      tpu.vector_store %arg8[%swap3A_140, %swap3A_141], %swap3A_144 {strides = array<i32>} : memref<128x64xf32, #tpu.memory_space<vmem>>, vector<1x16xf32>,
    }
    %scan3A_25 = arith.constant 64 : i32
    "tpu.region"() ({
      %run_scoped3A = tpu.sem_alloc : memref<!tpu.dma_semaphore, #tpu.memory_space<semaphore_mem>>
      %dma_start3A_26 = arith.constant 0 : i32
      %dma_start3A_27 = tpu.memref_slice %arg4[%mul3A_2, %dma_start3A_26] : memref<4096x64xf32, #tpu.memory_space<hbm>> -> memref<128x64xf32, #tpu.memory_space<hbm>>
      %dma_start3A_28 = arith.constant 0 : i32
      %dma_start3A_29 = tpu.memref_slice %arg4[%mul3A_2, %dma_start3A_28] : memref<4096x64xf32, #tpu.memory_space<hbm>> -> memref<128x64xf32, #tpu.memory_space<hbm>>
      tpu.enqueue_dma source(%arg8 : memref<128x64xf32, #tpu.memory_space<vmem>>) target(%dma_start3A_29 : memref<128x64xf32, #tpu.memory_space<hbm>>) target_semaphore(%run_scoped3A : memref<!tpu.dma_semaphore, #tpu.memory_space<semaphore_mem>>)
      %dma_wait3A = arith.constant 0 : i32
      %dma_wait3A_30 = tpu.memref_slice %arg4[%mul3A_2, %dma_wait3A] : memref<4096x64xf32, #tpu.memory_space<hbm>> -> memref<128x64xf32, #tpu.memory_space<hbm>>
      %dma_wait3A_31 = arith.constant 0 : i32
      %dma_wait3A_32 = tpu.memref_slice %arg4[%mul3A_2, %dma_wait3A_31] : memref<4096x64xf32, #tpu.memory_space<hbm>> -> memref<128x64xf32, #tpu.memory_space<hbm>>
      tpu.wait_dma2 semaphore(%run_scoped3A : memref<!tpu.dma_semaphore, #tpu.memory_space<semaphore_mem>>) src(%arg8 : memref<128x64xf32, #tpu.memory_space<vmem>>) dst(%dma_wait3A_32 : memref<128x64xf32, #tpu.memory_space<hbm>>)
      tpu.yield
    }) : () -> ()
    return
  }
}

module attributes {stable_mosaic.version = 14 : i64} {
  func.func @_mlp_body(%arg0: memref<4096x64xf32, #tpu.memory_space<vmem>>, %arg1: memref<64x128xf32, #tpu.memory_space<vmem>>, %arg2: memref<1x128xf32, #tpu.memory_space<vmem>>, %arg3: memref<128x64xf32, #tpu.memory_space<vmem>>, %arg4: memref<1x64xf32, #tpu.memory_space<vmem>>, %arg5: memref<64x128xf32, #tpu.memory_space<vmem>>, %arg6: memref<1x128xf32, #tpu.memory_space<vmem>>, %arg7: memref<4096x128xf32, #tpu.memory_space<vmem>>) attributes {dimension_semantics = [], scalar_prefetch = 0 : i64, scratch_operands = 0 : i64, tpu.core_type = #tpu.core_type<tc>} {
    %get3A = arith.constant 0 : index
    %get3A_0 = arith.constant 0 : index
    %get3A_1 = vector.load %arg0[%get3A, %get3A_0] : memref<4096x64xf32, #tpu.memory_space<vmem>>, vector<4096x64xf32>
    %get3A_2 = arith.constant 0 : index
    %get3A_3 = arith.constant 0 : index
    %get3A_4 = vector.load %arg1[%get3A_2, %get3A_3] : memref<64x128xf32, #tpu.memory_space<vmem>>, vector<64x128xf32>
    %dot_general3A = arith.constant dense<0.000000e+00> : vector<4096x128xf32>
    %dot_general3A_5 = tpu.matmul %get3A_1, %get3A_4, %dot_general3A {dimension_numbers = #tpu.dot_dimension_numbers<[1], [0], [0], [1], [0, 0, 1, 1], [], []>, transpose_lhs_hint = false} : vector<4096x64xf32>, vector<64x128xf32>, vector<4096x128xf32> -> vector<4096x128xf32>
    %get3A_6 = arith.constant 0 : index
    %get3A_7 = arith.constant 0 : index
    %get3A_8 = vector.load %arg2[%get3A_6, %get3A_7] : memref<1x128xf32, #tpu.memory_space<vmem>>, vector<1x128xf32>
    %add3A = vector.broadcast %get3A_8 : vector<1x128xf32> to vector<4096x128xf32>
    %add3A_9 = arith.addf %dot_general3A_5, %add3A : vector<4096x128xf32>
    %max3A = arith.constant 0.000000e+00 : f32
    %max3A_10 = vector.broadcast %max3A : f32 to vector<4096x128xf32>
    %max3A_11 = arith.maximumf %add3A_9, %max3A_10 : vector<4096x128xf32>
    %get3A_12 = arith.constant 0 : index
    %get3A_13 = arith.constant 0 : index
    %get3A_14 = vector.load %arg3[%get3A_12, %get3A_13] : memref<128x64xf32, #tpu.memory_space<vmem>>, vector<128x64xf32>
    %dot_general3A_15 = arith.constant dense<0.000000e+00> : vector<4096x64xf32>
    %dot_general3A_16 = tpu.matmul %max3A_11, %get3A_14, %dot_general3A_15 {dimension_numbers = #tpu.dot_dimension_numbers<[1], [0], [0], [1], [0, 0, 1, 1], [], []>, transpose_lhs_hint = false} : vector<4096x128xf32>, vector<128x64xf32>, vector<4096x64xf32> -> vector<4096x64xf32>
    %get3A_17 = arith.constant 0 : index
    %get3A_18 = arith.constant 0 : index
    %get3A_19 = vector.load %arg4[%get3A_17, %get3A_18] : memref<1x64xf32, #tpu.memory_space<vmem>>, vector<1x64xf32>
    %add3A_20 = vector.broadcast %get3A_19 : vector<1x64xf32> to vector<4096x64xf32>
    %add3A_21 = arith.addf %dot_general3A_16, %add3A_20 : vector<4096x64xf32>
    %max3A_22 = arith.constant 0.000000e+00 : f32
    %max3A_23 = vector.broadcast %max3A_22 : f32 to vector<4096x64xf32>
    %max3A_24 = arith.maximumf %add3A_21, %max3A_23 : vector<4096x64xf32>
    %get3A_25 = arith.constant 0 : index
    %get3A_26 = arith.constant 0 : index
    %get3A_27 = vector.load %arg5[%get3A_25, %get3A_26] : memref<64x128xf32, #tpu.memory_space<vmem>>, vector<64x128xf32>
    %dot_general3A_28 = arith.constant dense<0.000000e+00> : vector<4096x128xf32>
    %dot_general3A_29 = tpu.matmul %max3A_24, %get3A_27, %dot_general3A_28 {dimension_numbers = #tpu.dot_dimension_numbers<[1], [0], [0], [1], [0, 0, 1, 1], [], []>, transpose_lhs_hint = false} : vector<4096x64xf32>, vector<64x128xf32>, vector<4096x128xf32> -> vector<4096x128xf32>
    %get3A_30 = arith.constant 0 : index
    %get3A_31 = arith.constant 0 : index
    %get3A_32 = vector.load %arg6[%get3A_30, %get3A_31] : memref<1x128xf32, #tpu.memory_space<vmem>>, vector<1x128xf32>
    %add3A_33 = vector.broadcast %get3A_32 : vector<1x128xf32> to vector<4096x128xf32>
    %add3A_34 = arith.addf %dot_general3A_29, %add3A_33 : vector<4096x128xf32>
    %swap3A = arith.constant 0 : index
    %swap3A_35 = arith.constant 0 : index
    %swap3A_36 = vector.load %arg7[%swap3A, %swap3A_35] : memref<4096x128xf32, #tpu.memory_space<vmem>>, vector<4096x128xf32>
    tpu.vector_store %arg7[%swap3A, %swap3A_35], %add3A_34 {strides = array<i32>} : memref<4096x128xf32, #tpu.memory_space<vmem>>, vector<4096x128xf32>,
    return
  }
}

</mosaic_0001>

<sc_bundles>
// kernel: kernel.4.cloned.1.call-start
scs
__scs_entry_jumppad:
0x0: {  	(pc) =	sbr.rel $0x88, $3  }
0x1: {  	(tag) =	ssettag $0x0;
	lr =	simm.s32 $0x1  }
0x2: {  	[smem:$0x3F99] =	sst lr;
	_ =	strace $0xD0000000  }
0x3: {  	_ = 	snop  }
0x4: {  	_ = 	snop  }
0x5: {  	_ = 	snop  }
0x6: {  	_ = 	snop  }
0x7: {  	_ = 	snop  }
__scs_overlays_trampoline_lowered:
0x8: {  	[smem:$0x3FA8] =	sst s0  }
0x9: {  	[smem:$0x3FA9] =	sst s1  }
0xa: {  	[smem:$0x3FAA] =	sst s2  }
0xb: {  	[smem:$0x3FAB] =	sst s3  }
0xc: {  	[smem:$0x3FAC] =	sst s4  }
0xd: {  	[smem:$0x3FAD] =	sst s5  }
0xe: {  	[smem:$0x3FAE] =	sst s6  }
0xf: {  	[smem:$0x3FAF] =	sst s7  }
0x10: {  	[smem:$0x3FB0] =	sst s8  }
0x11: {  	[smem:$0x3FB1] =	sst s9;
	s0 =	simm.s32 @!p0 $0x0  }
0x12: {  	s1 =	sld [smem:$0x3F97];
	s0 =	simm.s32 @p0 $0x1  }
0x13: {  	[smem:$0x3FB2] =	sst s0;
	s0 =	simm.s32 @!p1 $0x0  }
0x14: {  	s2 =	sld [smem:$0x3F96];
	s0 =	simm.s32 @p1 $0x1  }
0x15: {  	[smem:$0x3FB3] =	sst s0;
	s0 =	simm.s32 @!p2 $0x0  }
0x16: {  	s3 =	sld [smem:$0x3FDB];
	s0 =	simm.s32 @p2 $0x1  }
0x17: {  	s4 =	simm.s32 $0x1BF5;
	[smem:$0x3FB5] =	sst s0  }
0x18: {  	s0 =	sld [smem:$0x3F98];
	_ =	swait.ge [sflag:s4], $0x0  }
0x19: {  	s7 =	sld [smem:$0x3F99]  }
0x1a: {  	s8 =	sadd.s32 $0xFFFFE003, lr  }
0x1b: {  	s9 =	sadd.s32 $0xFFFFFEF7, lr;
	s5 =	simm.s32 $0xFFFFFFFF;
	p2 =	slt.u32 s8, $0xFFFFF086  }
0x1c: {  	p1 =	slt.u32 s9, $0xF7A;
	s5 =	simm.s32 @!p2 $0x0  }
0x1d: {  	s5 =	simm.s32 @p1 $0x1;
	p0 =	seq.s32 s7, s2  }
0x1e: {  	s7 =	smul.u32 @!p0 $0xF7A, s2;
	p2 =	seq.s32 @!p0 s5, $0x0  }
0x1f: {  	s9 =	smul.u32 $0xF7A, s1;
	s8 =	simm.s32 @!p0 $0x1BF5;
	p2 =	por !p2, p0  }
0x20: {  	[sflag:s8] =	ssyncset.s32 @!p0 $0xFFFFF086;
	s6 =	sadd.s32 @!p0 s3, s7;
	s7 =	simm.s32 @!p0 $0x108  }
0x21: {  	s3 =	sadd.s32 s3, s9;
	s6 =	sadd.s32 @!p0 $0x88, s6;
	s7 =	simm.s32 @p2 $0x1082  }
0x22: {  	[simem:s7], [sflag:s8] =	dma.local @!p0 [hbm:s6], $0xF7A  }
0x23: {  	s9 =	sor.u32 $0xD0000000, s2;
	s6 =	simm.s32 $0x108;
	_ =	swait.ge @!p0 [sflag:s8], $0x0  }
0x24: {  	s3 =	sadd.s32 $0x88, s3;
	s6 =	simm.s32 @!p1 $0x1082;
	[sflag:s4] =	ssyncset.s32 $0xFFFFF086  }
0x25: {  	[simem:s6], [sflag:s4] =	dma.local [hbm:s3], $0xF7A  }
0x26: {  	[smem:$0x3F99] =	sst s1;
	(tag) =	ssettag s2;
	_ =	strace s9  }
0x27: {  	s1 =	sld [smem:$0x3FA9]  }
0x28: {  	s2 =	sld [smem:$0x3FAA]  }
0x29: {  	s4 =	sld [smem:$0x3FAC]  }
0x2a: {  	p0 =	seq.s32 s5, $0x0;
	s5 =	sld [smem:$0x3FAD]  }
0x2b: {  	s6 =	sld [smem:$0x3FAE]  }
0x2c: {  	s7 =	sld [smem:$0x3FAF]  }
0x2d: {  	s3 =	simm.s32 $0x108;
	s8 =	sld [smem:$0x3FB0]  }
0x2e: {  	s3 =	simm.s32 @!p0 $0x1082;
	s9 =	sld [smem:$0x3FB1]  }
0x2f: {  	lr =	sadd.s32 s0, s3;
	s0 =	sld [smem:$0x3FA8]  }
0x30: {  	s3 =	sld [smem:$0x3FAB]  }
0x31: {  	[smem:$0x3FB4] =	sst s10  }
0x32: {  	s10 =	sld [smem:$0x3FB2];
	_ =	sdelay $0x3  }
0x33: {  	p0 =	seq.s32 s10, $0x1;
	s10 =	sld [smem:$0x3FB4];
	_ =	sdelay $0x3  }
0x34: {  	[smem:$0x3FB4] =	sst s10  }
0x35: {  	s10 =	sld [smem:$0x3FB3];
	_ =	sdelay $0x3  }
0x36: {  	p1 =	seq.s32 s10, $0x1;
	s10 =	sld [smem:$0x3FB4];
	_ =	sdelay $0x3  }
0x37: {  	[smem:$0x3FB4] =	sst s10  }
0x38: {  	s10 =	sld [smem:$0x3FB5]  }
0x39: {  	_ = 	snop;
	(pc) =	sbr.ind lr, $3  }
0x3a: {  	_ = 	snop  }
0x3b: {  	_ = 	snop  }
0x3c: {  	p2 =	seq.s32 s10, $0x1;
	s10 =	sld [smem:$0x3FB4]  }
0x3d: {  	_ =	shalt  }
0x3e: {  	_ =	shalt  }
0x3f: {  	_ =	shalt  }
0x40: {  	_ =	shalt  }
0x41: {  	_ =	shalt  }
0x42: {  	_ =	shalt  }
0x43: {  	_ =	shalt  }
0x44: {  	_ =	shalt  }
0x45: {  	_ =	shalt  }
0x46: {  	_ =	shalt  }
0x47: {  	_ =	shalt  }
0x48: {  	_ =	shalt  }
0x49: {  	_ =	shalt  }
0x4a: {  	_ =	shalt  }
0x4b: {  	_ =	shalt  }
0x4c: {  	_ =	shalt  }
0x4d: {  	_ =	shalt  }
0x4e: {  	_ =	shalt  }
0x4f: {  	_ =	shalt  }
0x50: {  	_ =	shalt  }
0x51: {  	_ =	shalt  }
0x52: {  	_ =	shalt  }
0x53: {  	_ =	shalt  }
0x54: {  	_ =	shalt  }
0x55: {  	_ =	shalt  }
0x56: {  	_ =	shalt  }
0x57: {  	_ =	shalt  }
0x58: {  	_ =	shalt  }
0x59: {  	_ =	shalt  }
0x5a: {  	_ =	shalt  }
0x5b: {  	_ =	shalt  }
0x5c: {  	_ =	shalt  }
0x5d: {  	_ =	shalt  }
0x5e: {  	_ =	shalt  }
0x5f: {  	_ =	shalt  }
0x60: {  	_ =	shalt  }
0x61: {  	_ =	shalt  }
0x62: {  	_ =	shalt  }
0x63: {  	_ =	shalt  }
0x64: {  	_ =	shalt  }
0x65: {  	_ =	shalt  }
0x66: {  	_ =	shalt  }
0x67: {  	_ =	shalt  }
0x68: {  	_ =	shalt  }
0x69: {  	_ =	shalt  }
0x6a: {  	_ =	shalt  }
0x6b: {  	_ =	shalt  }
0x6c: {  	_ =	shalt  }
0x6d: {  	_ =	shalt  }
0x6e: {  	_ =	shalt  }
0x6f: {  	_ =	shalt  }
0x70: {  	_ =	shalt  }
0x71: {  	_ =	shalt  }
0x72: {  	_ =	shalt  }
0x73: {  	_ =	shalt  }
0x74: {  	_ =	shalt  }
0x75: {  	_ =	shalt  }
0x76: {  	_ =	shalt  }
0x77: {  	_ =	shalt  }
0x78: {  	_ =	shalt  }
0x79: {  	_ =	shalt  }
0x7a: {  	_ =	shalt  }
0x7b: {  	_ =	shalt  }
0x7c: {  	_ =	shalt  }
0x7d: {  	_ =	shalt  }
0x7e: {  	_ =	shalt  }
0x7f: {  	_ =	shalt  }
0x80: {  	_ =	shalt  }
0x81: {  	_ =	shalt  }
0x82: {  	_ =	shalt  }
0x83: {  	_ =	shalt  }
0x84: {  	_ =	shalt  }
0x85: {  	_ =	shalt  }
0x86: {  	_ =	shalt  }
0x87: {  	_ =	shalt  }
.Lfunc_end0:
.L_simem_size_0:
called_computation_lowered:
.L_overlay_start_0:
0x88: {  	s2 =	sld [smem:$0x3FD9]  }
0x89: {  	s3 =	sld [smem:$0x3FFE];
	_ =	sdelay $0x1  }
0x8a: {  	s1 =	srdreg.scid  }
0x8b: {  	s0 =	sand.u32 $0x1, s1  }
0x8c: {  	s16 =	sshll.u32 s0, $0xA;
	s2 =	sadd.s32 s3, s2  }
0x8d: {  	s2 =	sadd.s32 s2, s16  }
0x8e: {  	[smem:$0x3FC0] =	sst s2  }
0x8f: {  	_ = 	snop  }
0x90: {  	(tm) =	ssettm $0x1  }
0x91: {  	s17 =	sld [smem:$0x3FFB];
	_ =	sdelay $0x3  }
0x92: {  	_ =	strace s17  }
0x93: {  	s2 =	sld [smem:$0x3FFC];
	_ =	sdelay $0x3  }
0x94: {  	_ =	strace s2  }
0x95: {  	s2 =	sld [smem:$0x3FFD];
	_ =	sdelay $0x3  }
0x96: {  	_ =	strace s2  }
0x97: {  	_ =	strace $0x8FFFFFFF  }
0x98: {  	s18 =	sld [smem:$0x3FDB];
	_ =	sdelay $0x1  }
0x99: {  	s19 =	simm.s32 $_scs_section_size  }
0x9a: {  	s4 =	simm.s32 $_size__tile_overlayer_lowered;
	s5 =	simm.s32 $_tile_overlayer_lowered  }
0x9b: {  	s22 =	simm.s32 $0x1BFF;
	s21 =	sshll.u32 s5, $0x1;
	s2 =	sadd.s32 s19, s18  }
0x9c: {  	s6 =	simm.s32 $0x0;
	s20 =	sshll.u32 s4, $0x1;
	s4 =	sadd.s32 s21, s2  }
0x9d: {  	[timem:s6], [sflag:s22] =	dma.local [hbm:s4], s20  }
0x9e: {  	_ =	swait.ge [sflag:s22], s20  }
0x9f: {  	s3 =	ssub.s32 $0x0, s20;
	[sflag:s22] =	ssyncset.done $0x0  }
0xa0: {  	[sflag:s22] =	ssyncadd.s32 s3;
	_ =	sdelay $0x1  }
0xa1: {  	s23 =	simm.s32 $0x1B8B  }
0xa2: {  	_ =	swait.ge [sflag:s23], $0x1  }
0xa3: {  	[sflag:s23] =	ssyncset.done $0x0  }
0xa4: {  	s25 =	simm.s32 $0x1B8E;
	s24 =	sld [smem:$0x3FFE];
	[sflag:s23] =	ssyncadd.s32 $0xFFFFFFFF  }
0xa5: {  	s26 =	simm.s32 $execute0_lowered;
	[smem:$0x3FD2] =	sst s25  }
0xa6: {  	s4 =	sshll.u32 s26, $0x1;
	_ =	strace $0x80000046;
	[dreg:$0x1] =	wrdreg $0xFFFFFFFF  }
0xa7: {  	s28 =	simm.s32 $_size_execute0_lowered;
	s2 =	sadd.s32 s2, s4;
	[dreg:$0x0] =	wrdreg $0x0  }
0xa8: {  	s4 =	sshll.u32 s28, $0x1;
	[dreg:$0x2] =	wrdreg s2  }
0xa9: {  	[dreg:$0x3] =	wrdreg s4  }
0xaa: {  	[dreg:$0x4] =	wrdreg $0xC0  }
0xab: {  	_ =	task [dreg:s6], $0x5FFFF  }
0xac: {  	[dreg:$0x1] =	wrdreg $0xFFFFFFFF  }
0xad: {  	[dreg:$0x0] =	wrdreg $0x60  }
0xae: {  	[dreg:$0x2] =	wrdreg s24  }
0xaf: {  	[dreg:$0x3] =	wrdreg $0x9  }
0xb0: {  	_ =	task.clear_ibuf [dreg:s6], $0x4FFFF;
	_ =	strace $0x90000046  }
0xb1: {  	s29 =	simm.s32 $0x9;
	_ =	strace $0x80000048  }
0xb2: {  	_ =	swait.ge [sflag:s29], $0x1  }
0xb3: {  	[sflag:s29] =	ssyncadd.s32 $0xFFFFFFFF  }
0xb4: {  	_ =	strace $0x90000048  }
0xb5: {  	_ =	sfence  }
0xb6: {  	s30 =	sld [smem:$0x0];
	_ =	sdelay $0x2  }
0xb7: {  	s31 =	sshll.u32 s1, $0xD;
	s1 =	sshrl.u32 s1, $0x2  }
0xb8: {  	s3 =	sand.u32 $0x4000, s31;
	s1 =	sadd.s32 s1, s30  }
0xb9: {  	s0 =	sor.u32 s3, s0;
	s1 =	sshll.u32 s1, $0x11  }
0xba: {  	s0 =	sor.u32 s1, s0  }
0xbb: {  	s0 =	sadd.s32 $0x8F2B, s0  }
0xbc: {  	[sflag:s0] =	ssyncadd.remote.s32 $0x1  }
0xbd: {  	_ =	sfence.sel $0xFFFF  }
0xbe: {  	[dreg:$0x0] =	wrdreg $0xFFFFFFFF;
	(pc) =	sbr.abs _section_cstart, $3  }
0xbf: {  	[dreg:$0x1] =	wrdreg $0xFFFFFFFF  }
0xc0: {  	_ =	task.clear_ibuf [dreg:s6], $0x2FFFF;
	_ =	strace $0x9FFFFFFF  }
0xc1: {  	(tm) =	ssettm $0x7FFFFFFF  }
tec
execute0_lowered:
.L_overlay_start_1:
0x0: {  	(tag) =	ssettag $0x1  }
0x1: {  	s1 =	srdreg.scid;
	s0 =	stileid.u32  }
0x2: {  	s4 =	rddreg [dreg:$0x0];
	s2 =	simm.s32 $0x0;
	s8 =	simm.s32 $0x80  }
0x3: {  	s9 =	simm.s32 $0x6400;
	s10 =	simm.s32 $0x48;
	s11 =	simm.s32 $0x8400  }
0x4: {  	s12 =	simm.s32 $0x9600;
	s13 =	simm.s32 $0xB600;
	s14 =	simm.s32 $0x1  }
0x5: {  	s15 =	simm.s32 $0x2;
	s16 =	simm.s32 $0xC800;
	s17 =	simm.s32 $0x0  }
0x6: {  	s3 =	sand.u32 $0x1, s1;
	s5 =	sshll.u32 s0, $0x1;
	[smem:$0x7FF] =	sst s2  }
0x7: {  	s1 =	rddreg [dreg:$0x1];
	s5 =	sor.u32 s3, s5;
	_ =	strace $0x80000047  }
0x8: {  	s7 =	ssub.s32 $0x2, s3;
	s6 =	smul.u32 $0xC80, s5;
	s5 =	sshll.u32 s5, $0xA  }
0x9: {  	s3 =	sadd.s32 $0xF43600, s4;
	s31 =	sshrl.u32 s7, $0x1;
	s5 =	sadd.s32 s5, s4  }
0xa: {  	s7 =	ssub.s32 s7, s31;
	s6 =	sadd.s32 s6, s4;
	s5 =	sadd.s32 $0x1A200, s5  }
0xb: {  	s4 =	sadd.s32 $0x1200, s6;
	s6 =	smax.u32 s7, $0x1;
	s7 =	simm.s32 $0x3  }
.LBB2_1:
0xc: {  	[tilespmem:s2], [sflag:$0x3] =	stream.linear.gather [hbm4b:s4+s2], $0x6400, $0x38;
	[tilespmem:$0xE800] =	vst v63  }
0xd: {  	_ =	swait.ge [sflag:s7], $0x6400  }
0xe: {  	[sflag:s7] =	ssyncset.done $0x0  }
0xf: {  	[sflag:s7] =	ssyncadd.s32 $0xFFFF9C00  }
0x10: {  	[tilespmem:s9], [sflag:$0x1] =	stream.indirect.gather [hbm4b:s3+s8], $0x40, s2, s8, $0xb8;
	[tilespmem:$0xE800] =	vst v63  }
0x11: {  	s18 =	simm.s32 $0x0  }
0x12: {  	[tilespmem:s11], [sflag:$0x1] =	stream.indirect.gather [hbm4b:s3+s10], $0x40, s8, s10, $0xb8;
	[tilespmem:$0xE800] =	vst v63  }
.LBB2_2:
0x13: {  	s19 =	sshllo.u32 s18, $0x1  }
0x14: {  	s20 =	smul.u32 $0x320, s19;
	_ =	sdelay $0x1  }
0x15: {  	s20 =	sshra.s32 s20, $0x2  }
0x16: {  	[tilespmem:s12], [sflag:$0x2] =	stream.indirect.gather [hbm4b:s3+s8], $0x40, s20, s8, $0xb8;
	[tilespmem:$0xE800] =	vst v63  }
0x17: {  	s20 =	sadd.s32 $0x80, s20  }
0x18: {  	[tilespmem:s13], [sflag:$0x2] =	stream.indirect.gather [hbm4b:s3+s10], $0x40, s20, s10, $0xb8;
	[tilespmem:$0xE800] =	vst v63  }
0x19: {  	_ =	swait.ge [sflag:s14], $0x3200  }
0x1a: {  	[sflag:s14] =	ssyncset.done $0x0  }
0x1b: {  	s20 =	simm.s32 $0x0;
	[sflag:s14] =	ssyncadd.s32 $0xFFFFCE00  }
0x1c: {  	v0 =	vld [tilespmem:s20+$0x65C0]  }
0x1d: {  	v1 =	vld [tilespmem:s20+$0x65D0]  }
0x1e: {  	v2 =	vld [tilespmem:s20+$0x6580]  }
0x1f: {  	v3 =	vld [tilespmem:s20+$0x6590]  }
0x20: {  	v4 =	vld [tilespmem:s20+$0x6540]  }
0x21: {  	v5 =	vld [tilespmem:s20+$0x6550]  }
0x22: {  	v6 =	vld [tilespmem:s20+$0x6500]  }
0x23: {  	v7 =	vld [tilespmem:s20+$0x6510]  }
0x24: {  	v9 =	vld [tilespmem:s20+$0x64C0]  }
0x25: {  	v8 =	vld [tilespmem:s20+$0x64D0]  }
0x26: {  	v11 =	vld [tilespmem:s20+$0x6480]  }
0x27: {  	v10 =	vld [tilespmem:s20+$0x6490]  }
0x28: {  	v17 =	vld [tilespmem:s20+$0x6440]  }
0x29: {  	v16 =	vld [tilespmem:s20+$0x6450]  }
0x2a: {  	v19 =	vld [tilespmem:s20+$0x6400]  }
0x2b: {  	v12 =	vimm.f32 $0.0e+00;
	v20 =	vld [tilespmem:s20+$0x6410]  }
0x2c: {  	s21 =	simm.s32 $0x800;
	v15 =	vimm.f32 $0.0e+00;
	v14 =	vimm.f32 $0.0e+00;
	v13 =	vimm.f32 $0.0e+00;
	v18 =	vld [tilespmem:s20+$0x6420]  }
.LBB2_3:
0x2d: {  	p0 =	sne.s32 s21, $0xC000;
	v21 =	vld [tilespmem:s20+$0x6430]  }
0x2e: {  	v22 =	vld [tilespmem:s20+$0x6460]  }
0x2f: {  	v23 =	vld [tilespmem:s20+$0x6470]  }
0x30: {  	v24 =	vld [tilespmem:s20+$0x64A0]  }
0x31: {  	v12 =	vadd.f32 v19, v12;
	v15 =	vadd.f32 v20, v15;
	v19 =	vld [tilespmem:s20+$0x64B0]  }
0x32: {  	v14 =	vadd.f32 v18, v14;
	v13 =	vadd.f32 v21, v13;
	v18 =	vld [tilespmem:s20+$0x64E0]  }
0x33: {  	v12 =	vadd.f32 v17, v12;
	v15 =	vadd.f32 v16, v15;
	v16 =	vld [tilespmem:s20+$0x64F0]  }
0x34: {  	v14 =	vadd.f32 v22, v14;
	v13 =	vadd.f32 v23, v13;
	v17 =	vld [tilespmem:s20+$0x6520]  }
0x35: {  	v11 =	vadd.f32 v11, v12;
	v10 =	vadd.f32 v10, v15;
	v12 =	vld [tilespmem:s20+$0x6530]  }
0x36: {  	v14 =	vadd.f32 v24, v14;
	v13 =	vadd.f32 v19, v13;
	v15 =	vld [tilespmem:s20+$0x6560]  }
0x37: {  	v9 =	vadd.f32 v9, v11;
	v8 =	vadd.f32 v8, v10;
	v10 =	vld [tilespmem:s20+$0x6570]  }
0x38: {  	v11 =	vadd.f32 v18, v14;
	v13 =	vadd.f32 v16, v13;
	v14 =	vld [tilespmem:s20+$0x65A0]  }
0x39: {  	v6 =	vadd.f32 v6, v9;
	v7 =	vadd.f32 v7, v8;
	v8 =	vld [tilespmem:s20+$0x65B0]  }
0x3a: {  	v9 =	vadd.f32 v17, v11;
	v11 =	vadd.f32 v12, v13;
	v13 =	vld [tilespmem:s20+$0x65E0]  }
0x3b: {  	v4 =	vadd.f32 v4, v6;
	v5 =	vadd.f32 v5, v7;
	v6 =	vld [tilespmem:s20+$0x65F0];
	s20 =	sshra.s32 s21, $0x2  }
0x3c: {  	v9 =	vadd.f32 v15, v9;
	v7 =	vld [tilespmem:s20+$0x65C0];
	v10 =	vadd.f32 v10, v11  }
0x3d: {  	v4 =	vadd.f32 v2, v4;
	v5 =	vadd.f32 v3, v5;
	v11 =	vld [tilespmem:s20+$0x65D0]  }
0x3e: {  	v9 =	vadd.f32 v14, v9;
	v2 =	vld [tilespmem:s20+$0x6580];
	v8 =	vadd.f32 v8, v10  }
0x3f: {  	v12 =	vadd.f32 v0, v4;
	v15 =	vadd.f32 v1, v5;
	v3 =	vld [tilespmem:s20+$0x6590]  }
0x40: {  	v14 =	vadd.f32 v13, v9;
	v4 =	vld [tilespmem:s20+$0x6540];
	v13 =	vadd.f32 v6, v8  }
0x41: {  	v5 =	vld [tilespmem:s20+$0x6550];
	v0 =	vmov v7  }
0x42: {  	v6 =	vld [tilespmem:s20+$0x6500];
	v1 =	vmov v11  }
0x43: {  	v7 =	vld [tilespmem:s20+$0x6510]  }
0x44: {  	v9 =	vld [tilespmem:s20+$0x64C0]  }
0x45: {  	v8 =	vld [tilespmem:s20+$0x64D0]  }
0x46: {  	v11 =	vld [tilespmem:s20+$0x6480]  }
0x47: {  	v10 =	vld [tilespmem:s20+$0x6490]  }
.Ltmp0:
0x48: {  	v17 =	vld [tilespmem:s20+$0x6440];
	(pc) =	sbr.rel @p0 .LBB2_3-.Ltmp0, $4  }
0x49: {  	v16 =	vld [tilespmem:s20+$0x6450]  }
0x4a: {  	v19 =	vld [tilespmem:s20+$0x6400]  }
0x4b: {  	v20 =	vld [tilespmem:s20+$0x6410]  }
0x4c: {  	s21 =	sadd.s32 $0x800, s21;
	v18 =	vld [tilespmem:s20+$0x6420]  }
0x4d: {  	v21 =	vld [tilespmem:s20+$0x6430]  }
0x4e: {  	v22 =	vld [tilespmem:s20+$0x6460]  }
0x4f: {  	v23 =	vld [tilespmem:s20+$0x6470];
	v12 =	vadd.f32 v19, v12  }
0x50: {  	v19 =	vld [tilespmem:s20+$0x64A0];
	v15 =	vadd.f32 v20, v15  }
0x51: {  	v20 =	vld [tilespmem:s20+$0x64B0];
	v14 =	vadd.f32 v18, v14;
	v12 =	vadd.f32 v17, v12  }
0x52: {  	v17 =	vld [tilespmem:s20+$0x64E0];
	v13 =	vadd.f32 v21, v13;
	v15 =	vadd.f32 v16, v15  }
0x53: {  	v16 =	vld [tilespmem:s20+$0x64F0];
	v14 =	vadd.f32 v22, v14;
	v11 =	vadd.f32 v11, v12  }
0x54: {  	v12 =	vadd.f32 v23, v13;
	v13 =	vld [tilespmem:s20+$0x6520];
	v10 =	vadd.f32 v10, v15  }
0x55: {  	v15 =	vld [tilespmem:s20+$0x6530];
	v14 =	vadd.f32 v19, v14;
	v9 =	vadd.f32 v9, v11  }
0x56: {  	v11 =	vadd.f32 v20, v12;
	v12 =	vld [tilespmem:s20+$0x6560];
	v8 =	vadd.f32 v8, v10  }
0x57: {  	v10 =	vld [tilespmem:s20+$0x6570];
	v14 =	vadd.f32 v17, v14;
	v6 =	vadd.f32 v6, v9  }
0x58: {  	v9 =	vadd.f32 v16, v11;
	v11 =	vld [tilespmem:s20+$0x65A0];
	v7 =	vadd.f32 v7, v8  }
0x59: {  	v8 =	vld [tilespmem:s20+$0x65B0];
	v13 =	vadd.f32 v13, v14;
	v4 =	vadd.f32 v4, v6  }
0x5a: {  	v6 =	vadd.f32 v15, v9;
	v9 =	vld [tilespmem:s20+$0x65E0];
	v5 =	vadd.f32 v5, v7  }
0x5b: {  	v7 =	vld [tilespmem:s20+$0x65F0];
	v12 =	vadd.f32 v12, v13;
	v2 =	vadd.f32 v2, v4  }
0x5c: {  	v4 =	vadd.f32 v10, v6;
	v3 =	vadd.f32 v3, v5  }
0x5d: {  	v5 =	vadd.f32 v11, v12;
	v0 =	vadd.f32 v0, v2  }
0x5e: {  	v2 =	vadd.f32 v8, v4;
	v1 =	vadd.f32 v1, v3  }
0x5f: {  	s31 =	sshll.u32 s18, $0x7;
	v3 =	vadd.f32 v9, v5;
	v0 =	vmul.f32 $4.999999890e-03, v0  }
0x60: {  	p0 =	seq.s32 s18, $0x3F;
	s20 =	sand.u32 $0x3FFFFF80, s31;
	v2 =	vadd.f32 v7, v2;
	v1 =	vmul.f32 $4.999999890e-03, v1  }
0x61: {  	s21 =	smul.u32 @!p0 $0x640, s18;
	[tilespmem:s20+$0xC800] =	vst v0;
	v0 =	vmul.f32 $4.999999890e-03, v3  }
0x62: {  	[tilespmem:s20+$0xC810] =	vst v1;
	v1 =	vmul.f32 $4.999999890e-03, v2  }
0x63: {  	s21 =	sshra.s32 @!p0 s21, $0x2;
	[tilespmem:s20+$0xC820] =	vst v0  }
0x64: {  	s22 =	simm.s32 @!p0 $0x80;
	s23 =	simm.s32 @!p0 $0x6400;
	[tilespmem:s20+$0xC830] =	vst v1;
	s20 =	sadd.s32 @!p0 $0x190, s21  }
0x65: {  	[tilespmem:s23], [sflag:$0x1] =	stream.indirect.gather @!p0 [hbm4b:s3+s22], $0x40, s20, s22, $0xb8;
	[tilespmem:$0xE800] =	vst v63  }
0x66: {  	s20 =	sadd.s32 @!p0 $0x210, s21;
	s21 =	simm.s32 @!p0 $0x48;
	s22 =	simm.s32 @!p0 $0x8400  }
0x67: {  	[tilespmem:s22], [sflag:$0x1] =	stream.indirect.gather @!p0 [hbm4b:s3+s21], $0x40, s20, s21, $0xb8;
	[tilespmem:$0xE800] =	vst v63  }
0x68: {  	_ =	swait.ge [sflag:s15], $0x3200  }
0x69: {  	[sflag:s15] =	ssyncset.done $0x0  }
0x6a: {  	s20 =	simm.s32 $0x0;
	[sflag:s15] =	ssyncadd.s32 $0xFFFFCE00  }
0x6b: {  	v0 =	vld [tilespmem:s20+$0x97C0]  }
0x6c: {  	v1 =	vld [tilespmem:s20+$0x97D0]  }
0x6d: {  	v2 =	vld [tilespmem:s20+$0x9780]  }
0x6e: {  	v3 =	vld [tilespmem:s20+$0x9790]  }
0x6f: {  	v4 =	vld [tilespmem:s20+$0x9740]  }
0x70: {  	v5 =	vld [tilespmem:s20+$0x9750]  }
0x71: {  	v6 =	vld [tilespmem:s20+$0x9700]  }
0x72: {  	v7 =	vld [tilespmem:s20+$0x9710]  }
0x73: {  	v9 =	vld [tilespmem:s20+$0x96C0]  }
0x74: {  	v8 =	vld [tilespmem:s20+$0x96D0]  }
0x75: {  	v11 =	vld [tilespmem:s20+$0x9680]  }
0x76: {  	v10 =	vld [tilespmem:s20+$0x9690]  }
0x77: {  	v17 =	vld [tilespmem:s20+$0x9640]  }
0x78: {  	v16 =	vld [tilespmem:s20+$0x9650]  }
0x79: {  	v19 =	vld [tilespmem:s20+$0x9600]  }
0x7a: {  	v14 =	vimm.f32 $0.0e+00;
	v20 =	vld [tilespmem:s20+$0x9610]  }
0x7b: {  	v15 =	vimm.f32 $0.0e+00;
	v13 =	vimm.f32 $0.0e+00;
	v12 =	vimm.f32 $0.0e+00;
	s21 =	simm.s32 $0x800;
	v18 =	vld [tilespmem:s20+$0x9620]  }
.LBB2_5:
0x7c: {  	p0 =	sne.s32 s21, $0xC000;
	v21 =	vld [tilespmem:s20+$0x9630]  }
0x7d: {  	v22 =	vld [tilespmem:s20+$0x9660]  }
0x7e: {  	v23 =	vld [tilespmem:s20+$0x9670]  }
0x7f: {  	v24 =	vld [tilespmem:s20+$0x96A0]  }
0x80: {  	v12 =	vadd.f32 v19, v12;
	v15 =	vadd.f32 v20, v15;
	v19 =	vld [tilespmem:s20+$0x96B0]  }
0x81: {  	v14 =	vadd.f32 v18, v14;
	v13 =	vadd.f32 v21, v13;
	v18 =	vld [tilespmem:s20+$0x96E0]  }
0x82: {  	v12 =	vadd.f32 v17, v12;
	v15 =	vadd.f32 v16, v15;
	v16 =	vld [tilespmem:s20+$0x96F0]  }
0x83: {  	v14 =	vadd.f32 v22, v14;
	v13 =	vadd.f32 v23, v13;
	v17 =	vld [tilespmem:s20+$0x9720]  }
0x84: {  	v11 =	vadd.f32 v11, v12;
	v10 =	vadd.f32 v10, v15;
	v12 =	vld [tilespmem:s20+$0x9730]  }
0x85: {  	v14 =	vadd.f32 v24, v14;
	v13 =	vadd.f32 v19, v13;
	v15 =	vld [tilespmem:s20+$0x9760]  }
0x86: {  	v9 =	vadd.f32 v9, v11;
	v8 =	vadd.f32 v8, v10;
	v10 =	vld [tilespmem:s20+$0x9770]  }
0x87: {  	v11 =	vadd.f32 v18, v14;
	v13 =	vadd.f32 v16, v13;
	v14 =	vld [tilespmem:s20+$0x97A0]  }
0x88: {  	v6 =	vadd.f32 v6, v9;
	v7 =	vadd.f32 v7, v8;
	v8 =	vld [tilespmem:s20+$0x97B0]  }
0x89: {  	v9 =	vadd.f32 v17, v11;
	v11 =	vadd.f32 v12, v13;
	v13 =	vld [tilespmem:s20+$0x97E0]  }
0x8a: {  	v4 =	vadd.f32 v4, v6;
	v5 =	vadd.f32 v5, v7;
	v6 =	vld [tilespmem:s20+$0x97F0];
	s20 =	sshra.s32 s21, $0x2  }
0x8b: {  	v9 =	vadd.f32 v15, v9;
	v7 =	vld [tilespmem:s20+$0x97C0];
	v10 =	vadd.f32 v10, v11  }
0x8c: {  	v4 =	vadd.f32 v2, v4;
	v5 =	vadd.f32 v3, v5;
	v11 =	vld [tilespmem:s20+$0x97D0]  }
0x8d: {  	v9 =	vadd.f32 v14, v9;
	v2 =	vld [tilespmem:s20+$0x9780];
	v8 =	vadd.f32 v8, v10  }
0x8e: {  	v12 =	vadd.f32 v0, v4;
	v15 =	vadd.f32 v1, v5;
	v3 =	vld [tilespmem:s20+$0x9790]  }
0x8f: {  	v14 =	vadd.f32 v13, v9;
	v4 =	vld [tilespmem:s20+$0x9740];
	v13 =	vadd.f32 v6, v8  }
0x90: {  	v5 =	vld [tilespmem:s20+$0x9750];
	v0 =	vmov v7  }
0x91: {  	v6 =	vld [tilespmem:s20+$0x9700];
	v1 =	vmov v11  }
0x92: {  	v7 =	vld [tilespmem:s20+$0x9710]  }
0x93: {  	v9 =	vld [tilespmem:s20+$0x96C0]  }
0x94: {  	v8 =	vld [tilespmem:s20+$0x96D0]  }
0x95: {  	v11 =	vld [tilespmem:s20+$0x9680]  }
0x96: {  	v10 =	vld [tilespmem:s20+$0x9690]  }
.Ltmp1:
0x97: {  	v17 =	vld [tilespmem:s20+$0x9640];
	(pc) =	sbr.rel @p0 .LBB2_5-.Ltmp1, $4  }
0x98: {  	v16 =	vld [tilespmem:s20+$0x9650]  }
0x99: {  	v19 =	vld [tilespmem:s20+$0x9600]  }
0x9a: {  	v20 =	vld [tilespmem:s20+$0x9610]  }
0x9b: {  	s21 =	sadd.s32 $0x800, s21;
	v18 =	vld [tilespmem:s20+$0x9620]  }
0x9c: {  	v21 =	vld [tilespmem:s20+$0x9630]  }
0x9d: {  	v22 =	vld [tilespmem:s20+$0x9660]  }
0x9e: {  	v23 =	vld [tilespmem:s20+$0x9670];
	v12 =	vadd.f32 v19, v12  }
0x9f: {  	v42 =	vld [tilespmem:s20+$0x96A0];
	v15 =	vadd.f32 v20, v15  }
0xa0: {  	v43 =	vld [tilespmem:s20+$0x96B0];
	v14 =	vadd.f32 v18, v14;
	v12 =	vadd.f32 v17, v12  }
0xa1: {  	v44 =	vld [tilespmem:s20+$0x96E0];
	v13 =	vadd.f32 v21, v13;
	v15 =	vadd.f32 v16, v15  }
0xa2: {  	v45 =	vld [tilespmem:s20+$0x96F0];
	v14 =	vadd.f32 v22, v14;
	v11 =	vadd.f32 v11, v12  }
0xa3: {  	v47 =	vld [tilespmem:s20+$0x9720];
	v46 =	vadd.f32 v23, v13;
	v10 =	vadd.f32 v10, v15  }
0xa4: {  	v48 =	vld [tilespmem:s20+$0x9730];
	v14 =	vadd.f32 v42, v14;
	v9 =	vadd.f32 v9, v11  }
0xa5: {  	v50 =	vld [tilespmem:s20+$0x9760];
	v49 =	vadd.f32 v43, v46;
	v8 =	vadd.f32 v8, v10  }
0xa6: {  	v51 =	vld [tilespmem:s20+$0x9770];
	v14 =	vadd.f32 v44, v14;
	v6 =	vadd.f32 v6, v9  }
0xa7: {  	v53 =	vld [tilespmem:s20+$0x97A0];
	v52 =	vadd.f32 v45, v49;
	v7 =	vadd.f32 v7, v8  }
0xa8: {  	v54 =	vld [tilespmem:s20+$0x97B0];
	v13 =	vadd.f32 v47, v14;
	v4 =	vadd.f32 v4, v6  }
0xa9: {  	v56 =	vld [tilespmem:s20+$0x97E0];
	v55 =	vadd.f32 v48, v52;
	v5 =	vadd.f32 v5, v7  }
0xaa: {  	v57 =	vld [tilespmem:s20+$0x97F0];
	v12 =	vadd.f32 v50, v13;
	v2 =	vadd.f32 v2, v4  }
0xab: {  	v58 =	vadd.f32 v51, v55;
	v3 =	vadd.f32 v3, v5  }
0xac: {  	v59 =	vadd.f32 v53, v12;
	v0 =	vadd.f32 v0, v2  }
0xad: {  	s18 =	sadd.s32 $0x1, s18;
	v60 =	vadd.f32 v54, v58;
	v1 =	vadd.f32 v1, v3  }
0xae: {  	s19 =	sshll.u32 s19, $0x6;
	p0 =	sne.s32 s18, $0x40;
	v61 =	vadd.f32 v56, v59;
	v0 =	vmul.f32 $4.999999890e-03, v0  }
.Ltmp2:
0xaf: {  	s19 =	sand.u32 $0x3FFFFFC0, s19;
	v2 =	vadd.f32 v57, v60;
	v1 =	vmul.f32 $4.999999890e-03, v1;
	(pc) =	sbr.rel @p0 .LBB2_2-.Ltmp2, $4  }
0xb0: {  	[tilespmem:s19+$0xC800] =	vst v0;
	v62 =	vmul.f32 $4.999999890e-03, v61  }
0xb1: {  	[tilespmem:s19+$0xC810] =	vst v1;
	v63 =	vmul.f32 $4.999999890e-03, v2  }
0xb2: {  	[tilespmem:s19+$0xC820] =	vst v62  }
0xb3: {  	[tilespmem:s19+$0xC830] =	vst v63  }
0xb4: {  	s17 =	sadd.s32 $0x1, s17  }
0xb5: {  	p0 =	sne.s32 s17, s6  }
.Ltmp3:
0xb6: {  	_ = 	snop;
	(pc) =	sbr.rel @p0 .LBB2_1-.Ltmp3, $4  }
0xb7: {  	[hbm4b:s5+s2] =	stream.linear.scatter [tilespmem:s16], [sflag:$0x3], $0x2000, $0x38;
	[tilespmem:$0xE800] =	vst v63  }
0xb8: {  	_ =	swait.ge [sflag:s7], $0x2000  }
0xb9: {  	[sflag:s7] =	ssyncset.done $0x0  }
0xba: {  	[sflag:s7] =	ssyncadd.s32 $0xFFFFE000  }
0xbb: {  	_ =	sfence.sel $0x180000  }
0xbc: {  	[bflag:$0x0] =	sbarrier.arrive $0xFFFF  }
0xbd: {  	p0 =	sne.s32 s0, $0x0;
	_ =	strace $0x90000047  }
0xbe: {  	s0 =	sadd.s32 @!p0 $0x100000, s1;
	[bflag:$0x2] =	sbarrier.arrive $0xFFFF  }
0xbf: {  	[sflag:s0] =	ssyncadd.tile.s32 @!p0 $0x1;
	_ =	shalt  }
.Lfunc_end2:
_tile_overlayer_lowered:
.L_overlay_start_2:
0xc0: {  	(tag) =	ssettag $0x2  }
0xc1: {  	s0 =	rddreg [dreg:$0x0];
	s2 =	stileid.u32  }
0xc2: {  	s1 =	rddreg [dreg:$0x1];
	p0 =	sne.s32 s2, $0x0  }
0xc3: {  	s3 =	rddreg [dreg:$0x2];
	[bflag:$0x3] =	sbarrier.arrive $0xFFFF;
	s2 =	simm.s32 @!p0 $0x1C03  }
0xc4: {  	[timem:s3], [sflag:s2] =	dma.local @!p0 [hbm:s0], s1  }
0xc5: {  	s0 =	simm.s32 @!p0 $0x3  }
0xc6: {  	_ =	swait.ge @!p0 [sflag:s0], s1  }
0xc7: {  	s1 =	ssub.s32 @!p0 $0x0, s1;
	[sflag:s0] =	ssyncset.done @!p0 $0x0  }
0xc8: {  	[sflag:s0] =	ssyncadd.s32 @!p0 s1  }
0xc9: {  	[bflag:$0x3] =	sbarrier.arrive $0xFFFF  }
0xca: {  	_ =	shalt  }

</sc_bundles>
